<compile_context>
chip_gen: v7x
topology: tpu7x:2x2x1
jax: 0.10.2.dev20260603
libtpu: 0.0.44.dev20260713+nightly
codegen_flags: <defaults>
</compile_context>

<pallas_src>
import functools

import jax
import jax.numpy as jnp
from jax import lax
from jax.experimental import pallas as pl
from jax.experimental.pallas import tpu as pltpu
from jax.experimental.pallas import tpu_sc as plsc

N = 10000
E = 160000
DA = 80
DP = 128
E_PAD = 163840
NODE_BLK = 1000
EDGE_BLK = 2048

NW = 32
CH = 80
PER_W = E_PAD // NW
N_CHUNK = PER_W // CH
NT = 4


def _node_encoder_body(xp, h1, c1, h2, c2,
                       wih1, whh1, b1, wih2, whh2, b2,
                       wmxe, wmxo, bmxe, bmxo, wl1, bl1, wl2, bl2,
                       ws, wd, *ab_outs):
    a_outs = ab_outs[:NT]
    b_outs = ab_outs[NT:]
    f32 = jnp.float32
    dot = functools.partial(jnp.dot, preferred_element_type=f32)
    g1 = dot(xp[...], wih1[...]) + dot(h1[...], whh1[...]) + b1[...]
    i1 = jax.nn.sigmoid(g1[:, 0:128])
    f1 = jax.nn.sigmoid(g1[:, 128:256])
    gg1 = jnp.tanh(g1[:, 256:384])
    o1 = jax.nn.sigmoid(g1[:, 384:512])
    c1n = f1 * c1[...] + i1 * gg1
    z1 = jnp.maximum(o1 * jnp.tanh(c1n), 0.0)
    g2 = dot(z1, wih2[...]) + dot(h2[...], whh2[...]) + b2[...]
    i2 = jax.nn.sigmoid(g2[:, 0:256])
    f2 = jax.nn.sigmoid(g2[:, 256:512])
    gg2 = jnp.tanh(g2[:, 512:768])
    o2 = jax.nn.sigmoid(g2[:, 768:1024])
    c2n = f2 * c2[...] + i2 * gg2
    z2 = jnp.maximum(o2 * jnp.tanh(c2n), 0.0)
    m = jnp.maximum(dot(z2, wmxe[...]) + bmxe[...],
                    dot(z2, wmxo[...]) + bmxo[...])
    t = dot(m, wl1[...]) + bl1[...]
    nodes = dot(t, wl2[...]) + bl2[...]
    av = dot(nodes, ws[...])
    bv = dot(nodes, wd[...])
    for r in a_outs:
        r[...] = av
    for r in b_outs:
        r[...] = bv


def _edge_body(ea, g, ew1, eb1, ew2, eb2, we, mb1, mw2, mb2,
               cw1, cb1, cw2, cb2, s_out):
    f32 = jnp.float32
    dot = functools.partial(jnp.dot, preferred_element_type=f32)
    e1 = jnp.maximum(dot(ea[...], ew1[...]) + eb1[...], 0.0)
    e2 = jnp.maximum(dot(e1, ew2[...]) + eb2[...], 0.0)
    h = jnp.maximum(g[...][:, 0:DA] + dot(e2, we[...]) + mb1[...], 0.0)
    eo = jnp.maximum(dot(h, mw2[...]) + mb2[...], 0.0)
    s1 = jnp.maximum(dot(eo, cw1[...]) + cb1[...], 0.0)
    s_out[...] = dot(s1, cw2[...]) + cb2[...]


def _sc_gather_add(a0_hbm, a1_hbm, a2_hbm, a3_hbm,
                   b0_hbm, b1_hbm, b2_hbm, b3_hbm,
                   src_hbm, dst_hbm, out_hbm,
                   sidx, didx,
                   ra0, ra1, ra2, ra3, rb0, rb1, rb2, rb3, ob0, ob1,
                   sa0, sa1, sa2, sa3, sb0, sb1, sb2, sb3, so0, so1):
    wid = lax.axis_index("s") * 2 + lax.axis_index("c")
    base = wid * PER_W
    pltpu.sync_copy(src_hbm.at[pl.ds(base, PER_W)], sidx)
    pltpu.sync_copy(dst_hbm.at[pl.ds(base, PER_W)], didx)
    at_ = (a0_hbm, a1_hbm, a2_hbm, a3_hbm)
    bt_ = (b0_hbm, b1_hbm, b2_hbm, b3_hbm)
    ra = (ra0, ra1, ra2, ra3)
    rb = (rb0, rb1, rb2, rb3)
    ob = (ob0, ob1)
    sa = (sa0, sa1, sa2, sa3)
    sb = (sb0, sb1, sb2, sb3)
    so = (so0, so1)

    def fire(g, k):
        pltpu.async_copy(at_[k].at[sidx.at[pl.ds(g * CH, CH)]], ra[k], sa[k])
        pltpu.async_copy(bt_[k].at[didx.at[pl.ds(g * CH, CH)]], rb[k], sb[k])

    def wait_gather(g, k):
        pltpu.make_async_copy(
            at_[k].at[sidx.at[pl.ds(g * CH, CH)]], ra[k], sa[k]).wait()
        pltpu.make_async_copy(
            bt_[k].at[didx.at[pl.ds(g * CH, CH)]], rb[k], sb[k]).wait()

    for g in range(3):
        fire(g, g)

    def outer(g0, carry):
        for k in range(4):
            g = 4 * g0 + k
            p = k % 2
            wait_gather(g, k)

            if k < 2:
                @pl.when(g0 > 0)
                def _():
                    prev = base + (g - 2) * CH
                    pltpu.make_async_copy(
                        ob[p], out_hbm.at[pl.ds(prev, CH)], so[p]).wait()
            else:
                prev = base + (g - 2) * CH
                pltpu.make_async_copy(
                    ob[p], out_hbm.at[pl.ds(prev, CH)], so[p]).wait()

            def add_row(i, c):
                for j in range(DP // 16):
                    sl = pl.ds(j * 16, 16)
                    ob[p][i, sl] = ra[k][i, sl] + rb[k][i, sl]
                return c

            lax.fori_loop(0, CH, add_row, 0)

            nk = (k + 3) % 4
            if k == 0:
                fire(g + 3, nk)
            else:
                @pl.when(g0 < N_CHUNK // 4 - 1)
                def _():
                    fire(g + 3, nk)

            pltpu.async_copy(ob[p], out_hbm.at[pl.ds(base + g * CH, CH)], so[p])
        return carry

    lax.fori_loop(0, N_CHUNK // 4, outer, 0)
    for g in range(N_CHUNK - 2, N_CHUNK):
        pltpu.make_async_copy(
            ob[g % 2], out_hbm.at[pl.ds(base + g * CH, CH)], so[g % 2]).wait()


def kernel(x, edge_attr, h1, c1, h2, c2,
           Wih1, Whh1, bih1, bhh1, Wih2, Whh2, bih2, bhh2,
           Wmx, bmx, Wl1, bl1, Wl2, bl2,
           eW1, eb1, eW2, eb2,
           mW1, mb1, mW2, mb2,
           nW1, nb1, nW2, nb2,
           cW1, cb1, cW2, cb2, edge_index):
    f32 = jnp.float32

    xp = jnp.pad(x, ((0, 0), (0, 2)))
    wih1 = jnp.pad(Wih1.T, ((0, 2), (0, 0)))
    whh1 = Whh1.T
    b1 = (bih1 + bhh1)[None, :]
    wih2 = Wih2.T
    whh2 = Whh2.T
    b2 = (bih2 + bhh2)[None, :]
    wmxt = Wmx.T
    wmxe = wmxt[:, 0::2]
    wmxo = wmxt[:, 1::2]
    bmxe = bmx[0::2][None, :]
    bmxo = bmx[1::2][None, :]
    wl1 = Wl1.T
    bl1v = bl1[None, :]
    wl2 = Wl2.T
    bl2v = bl2[None, :]
    ws = jnp.pad(mW1[:, 0:64].T, ((0, 0), (0, DP - DA)))
    wd = jnp.pad(mW1[:, 64:128].T, ((0, 0), (0, DP - DA)))
    we = mW1[:, 128:144].T
    mb1v = mb1[None, :]
    ew1 = jnp.pad(eW1.T, ((0, 4), (0, 0)))
    eb1v = eb1[None, :]
    ew2 = eW2.T
    eb2v = eb2[None, :]
    mw2 = mW2.T
    mb2v = mb2[None, :]
    cw1 = cW1.T
    cb1v = cb1[None, :]
    cw2 = cW2.T
    cb2v = cb2[None, :]

    eap = jnp.pad(edge_attr, ((0, E_PAD - E), (0, 4)))
    src = jnp.pad(edge_index[0], (0, E_PAD - E))
    dst = jnp.pad(edge_index[1], (0, E_PAD - E))

    n_grid = N // NODE_BLK
    row = lambda d: pl.BlockSpec((NODE_BLK, d), lambda i: (i, 0))
    full = lambda a: pl.BlockSpec(a.shape, lambda i: tuple(0 for _ in a.shape))
    ab_parts = pl.pallas_call(
        _node_encoder_body,
        grid=(n_grid,),
        in_specs=[row(8), row(128), row(128), row(256), row(256)] + [
            full(w) for w in (wih1, whh1, b1, wih2, whh2, b2,
                              wmxe, wmxo, bmxe, bmxo, wl1, bl1v, wl2, bl2v,
                              ws, wd)],
        out_specs=[row(DP)] * (2 * NT),
        out_shape=[jax.ShapeDtypeStruct((N, DP), f32)] * (2 * NT),
    )(xp, h1, c1, h2, c2, wih1, whh1, b1, wih2, whh2, b2,
      wmxe, wmxo, bmxe, bmxo, wl1, bl1v, wl2, bl2v, ws, wd)

    sc_gather = functools.partial(
        pl.kernel,
        mesh=plsc.VectorSubcoreMesh(core_axis_name="c", subcore_axis_name="s"),
        out_type=jax.ShapeDtypeStruct((E_PAD, DP), f32),
        scratch_types=[
            pltpu.VMEM((PER_W,), jnp.int32),
            pltpu.VMEM((PER_W,), jnp.int32),
        ] + [pltpu.VMEM((CH, DP), f32) for _ in range(10)]
          + [pltpu.SemaphoreType.DMA for _ in range(10)],
    )(_sc_gather_add)
    g_pre = sc_gather(*ab_parts, src, dst)

    e_grid = E_PAD // EDGE_BLK
    erow = lambda d: pl.BlockSpec((EDGE_BLK, d), lambda i: (i, 0))
    s_pad = pl.pallas_call(
        _edge_body,
        grid=(e_grid,),
        in_specs=[erow(8), erow(DP)] + [
            full(w) for w in (ew1, eb1v, ew2, eb2v, we, mb1v, mw2, mb2v,
                              cw1, cb1v, cw2, cb2v)],
        out_specs=[erow(1)],
        out_shape=[jax.ShapeDtypeStruct((E_PAD, 1), f32)],
    )(eap, g_pre, ew1, eb1v, ew2, eb2v, we, mb1v, mw2, mb2v,
      cw1, cb1v, cw2, cb2v)[0]

    return s_pad[:E]

# --- scband reference (transcript-rebuilt; emitter-appended) ---
"""Pipeline reference for scband-net-bp-lstm-single-50242527429377 (READ-ONLY COPY).

The authoritative reference and input builder live on the scoring server;
editing this copy changes nothing except your own understanding.
"""

import jax, jax.numpy as jnp
import numpy as np

N = 10000
E = 160000
F = 6
H1 = 128
H2 = 256
DN = 64
DE = 16

_W_SHAPES = {
    'Wih1': (4*H1, F), 'Whh1': (4*H1, H1), 'bih1': (4*H1,), 'bhh1': (4*H1,),
    'Wih2': (4*H2, H1), 'Whh2': (4*H2, H2), 'bih2': (4*H2,), 'bhh2': (4*H2,),
    'Wmx': (256, 256), 'bmx': (256,),
    'Wl1': (64, 128), 'bl1': (64,), 'Wl2': (DN, 64), 'bl2': (DN,),
    'eW1': (DE, 4), 'eb1': (DE,), 'eW2': (DE, DE), 'eb2': (DE,),
    'mW1': (80, 2*DN+DE), 'mb1': (80,), 'mW2': (DE, 80), 'mb2': (DE,),
    'nW1': (DN, DN+DE), 'nb1': (DN,), 'nW2': (DN, DN), 'nb2': (DN,),
    'cW1': (8, DE), 'cb1': (8,), 'cW2': (1, 8), 'cb2': (1,),
}

FLOAT_ORDER = ['x', 'edge_attr', 'h1', 'c1', 'h2', 'c2'] + list(_W_SHAPES.keys())


def setup_inputs(seed=0):
    key = jax.random.key(seed)
    f = lambda i: jax.random.fold_in(key, i)
    inp = {}
    inp['x'] = jax.random.normal(f(0), (N, F), dtype=jnp.float32)
    inp['edge_attr'] = jax.random.normal(f(1), (E, 4), dtype=jnp.float32)
    inp['h1'] = jax.random.normal(f(2), (N, H1), dtype=jnp.float32)
    inp['c1'] = jax.random.normal(f(3), (N, H1), dtype=jnp.float32)
    inp['h2'] = jax.random.normal(f(4), (N, H2), dtype=jnp.float32)
    inp['c2'] = jax.random.normal(f(5), (N, H2), dtype=jnp.float32)
    for i, (name, sh) in enumerate(_W_SHAPES.items()):
        inp[name] = jax.random.normal(f(10 + i), sh, dtype=jnp.float32) * 0.05
    inp['edge_index'] = jax.random.randint(f(6), (2, E), 0, N, dtype=jnp.int32)
    return inp


def _lstm_step(x, h, c, Wih, Whh, bih, bhh):
    # single-timestep torch-style LSTM cell (gate order: i, f, g, o)
    g = x @ Wih.T + bih + h @ Whh.T + bhh
    i, fg, gg, o = jnp.split(g, 4, axis=-1)
    c2 = jax.nn.sigmoid(fg) * c + jax.nn.sigmoid(i) * jnp.tanh(gg)
    return jax.nn.sigmoid(o) * jnp.tanh(c2)


def _forward(x, edge_attr, h1, c1, h2, c2,
             Wih1, Whh1, bih1, bhh1, Wih2, Whh2, bih2, bhh2,
             Wmx, bmx, Wl1, bl1, Wl2, bl2,
             eW1, eb1, eW2, eb2,
             mW1, mb1, mW2, mb2,
             nW1, nb1, nW2, nb2,
             cW1, cb1, cW2, cb2, edge_index):
    # LSTM_single node encoder (seq_len = 1, unidirectional, 1 layer)
    z = jax.nn.relu(_lstm_step(x, h1, c1, Wih1, Whh1, bih1, bhh1))
    z = jax.nn.relu(_lstm_step(z, h2, c2, Wih2, Whh2, bih2, bhh2))
    # Maxout(256 -> 128, pool_size=2)
    z = z @ Wmx.T + bmx
    z = z.reshape(z.shape[0], 128, 2).max(-1)
    z = z @ Wl1.T + bl1
    nodes = z @ Wl2.T + bl2  # [N, 64] node latent features
    # edge encoder MLP [16, 16]
    e = jax.nn.relu(edge_attr @ eW1.T + eb1)
    e = jax.nn.relu(e @ eW2.T + eb2)
    src = edge_index[0]
    dst = edge_index[1]
    # EdgeModelBP_single: cat([source, target, edge_attr]) -> edge_mlp
    eo = jnp.concatenate([nodes[src], nodes[dst], e], axis=1)
    eo = jax.nn.relu(eo @ mW1.T + mb1)
    eo = jax.nn.relu(eo @ mW2.T + mb2)  # [E, 16]
    # NodeModelBP_single: scatter-add messages by dst, then node MLP
    agg = jax.ops.segment_sum(eo, dst, num_segments=N)
    nupd = jax.nn.relu(jnp.concatenate([nodes, agg], axis=1) @ nW1.T + nb1)
    nupd = jax.nn.relu(nupd @ nW2.T + nb2)
    # edge classifier (MLP_sparse, fc_dims=[8, 1]: no activation on final dim-1 layer)
    s = jax.nn.relu(eo @ cW1.T + cb1)
    s = s @ cW2.T + cb2
    return s


def reference(x, edge_attr, h1, c1, h2, c2,
              Wih1, Whh1, bih1, bhh1, Wih2, Whh2, bih2, bhh2,
              Wmx, bmx, Wl1, bl1, Wl2, bl2,
              eW1, eb1, eW2, eb2,
              mW1, mb1, mW2, mb2,
              nW1, nb1, nW2, nb2,
              cW1, cb1, cW2, cb2, edge_index):
    return _forward(x, edge_attr, h1, c1, h2, c2,
                    Wih1, Whh1, bih1, bhh1, Wih2, Whh2, bih2, bhh2,
                    Wmx, bmx, Wl1, bl1, Wl2, bl2,
                    eW1, eb1, eW2, eb2,
                    mW1, mb1, mW2, mb2,
                    nW1, nb1, nW2, nb2,
                    cW1, cb1, cW2, cb2, edge_index)

if __name__ == "__main__":
    import jax
    _d = setup_inputs()
    print(jax.jit(kernel)(*tuple(_d.values())))

</pallas_src>

<mosaic_0001>
#map = affine_map<(d0, d1) -> (0, 0)>
#map1 = affine_map<(d0, d1) -> (0)>
module attributes {stable_mosaic.version = 14 : i64} {
  func.func @_sc_gather_add(%arg0: i32, %arg1: i32, %arg2: memref<10000x128xf32, #tpu.memory_space<hbm>>, %arg3: memref<10000x128xf32, #tpu.memory_space<hbm>>, %arg4: memref<10000x128xf32, #tpu.memory_space<hbm>>, %arg5: memref<10000x128xf32, #tpu.memory_space<hbm>>, %arg6: memref<10000x128xf32, #tpu.memory_space<hbm>>, %arg7: memref<10000x128xf32, #tpu.memory_space<hbm>>, %arg8: memref<10000x128xf32, #tpu.memory_space<hbm>>, %arg9: memref<10000x128xf32, #tpu.memory_space<hbm>>, %arg10: memref<163840xi32, #tpu.memory_space<hbm>>, %arg11: memref<163840xi32, #tpu.memory_space<hbm>>, %arg12: memref<163840x128xf32, #tpu.memory_space<hbm>>, %arg13: memref<5120xi32, #tpu.memory_space<vmem>>, %arg14: memref<5120xi32, #tpu.memory_space<vmem>>, %arg15: memref<80x128xf32, #tpu.memory_space<vmem>>, %arg16: memref<80x128xf32, #tpu.memory_space<vmem>>, %arg17: memref<80x128xf32, #tpu.memory_space<vmem>>, %arg18: memref<80x128xf32, #tpu.memory_space<vmem>>, %arg19: memref<80x128xf32, #tpu.memory_space<vmem>>, %arg20: memref<80x128xf32, #tpu.memory_space<vmem>>, %arg21: memref<80x128xf32, #tpu.memory_space<vmem>>, %arg22: memref<80x128xf32, #tpu.memory_space<vmem>>, %arg23: memref<80x128xf32, #tpu.memory_space<vmem>>, %arg24: memref<80x128xf32, #tpu.memory_space<vmem>>, %arg25: memref<!tpu.dma_semaphore, #tpu.memory_space<semaphore_mem>>, %arg26: memref<!tpu.dma_semaphore, #tpu.memory_space<semaphore_mem>>, %arg27: memref<!tpu.dma_semaphore, #tpu.memory_space<semaphore_mem>>, %arg28: memref<!tpu.dma_semaphore, #tpu.memory_space<semaphore_mem>>, %arg29: memref<!tpu.dma_semaphore, #tpu.memory_space<semaphore_mem>>, %arg30: memref<!tpu.dma_semaphore, #tpu.memory_space<semaphore_mem>>, %arg31: memref<!tpu.dma_semaphore, #tpu.memory_space<semaphore_mem>>, %arg32: memref<!tpu.dma_semaphore, #tpu.memory_space<semaphore_mem>>, %arg33: memref<!tpu.dma_semaphore, #tpu.memory_space<semaphore_mem>>, %arg34: memref<!tpu.dma_semaphore, #tpu.memory_space<semaphore_mem>>) attributes {dimension_semantics = [#tpu.dimension_semantics<core_parallel>, #tpu.dimension_semantics<subcore_parallel>], iteration_bounds = array<i64: 2, 16>, scalar_prefetch = 0 : i64, scratch_operands = 22 : i64, tpu.core_type = #tpu.core_type<sc_vector_subcore>, window_params = [{transform_indices = #map}, {transform_indices = #map}, {transform_indices = #map}, {transform_indices = #map}, {transform_indices = #map}, {transform_indices = #map}, {transform_indices = #map}, {transform_indices = #map}, {transform_indices = #map1}, {transform_indices = #map1}, {transform_indices = #map}]} {
    %mul3A = arith.constant 2 : i32
    %mul3A_0 = arith.muli %arg1, %mul3A : i32
    %add3A = arith.addi %mul3A_0, %arg0 : i32
    %mul3A_1 = arith.constant 5120 : i32
    %mul3A_2 = arith.muli %add3A, %mul3A_1 : i32
    "tpu.region"() ({
      %run_scoped3A = tpu.sem_alloc : memref<!tpu.dma_semaphore, #tpu.memory_space<semaphore_mem>>
      %dma_start3A_48 = tpu.memref_slice %arg10[%mul3A_2] : memref<163840xi32, #tpu.memory_space<hbm>> -> memref<5120xi32, #tpu.memory_space<hbm>>
      %dma_start3A_49 = tpu.memref_slice %arg10[%mul3A_2] : memref<163840xi32, #tpu.memory_space<hbm>> -> memref<5120xi32, #tpu.memory_space<hbm>>
      tpu.enqueue_dma source(%dma_start3A_49 : memref<5120xi32, #tpu.memory_space<hbm>>) target(%arg13 : memref<5120xi32, #tpu.memory_space<vmem>>) target_semaphore(%run_scoped3A : memref<!tpu.dma_semaphore, #tpu.memory_space<semaphore_mem>>)
      %dma_wait3A_50 = tpu.memref_slice %arg10[%mul3A_2] : memref<163840xi32, #tpu.memory_space<hbm>> -> memref<5120xi32, #tpu.memory_space<hbm>>
      %dma_wait3A_51 = tpu.memref_slice %arg10[%mul3A_2] : memref<163840xi32, #tpu.memory_space<hbm>> -> memref<5120xi32, #tpu.memory_space<hbm>>
      tpu.wait_dma2 semaphore(%run_scoped3A : memref<!tpu.dma_semaphore, #tpu.memory_space<semaphore_mem>>) src(%dma_wait3A_51 : memref<5120xi32, #tpu.memory_space<hbm>>) dst(%arg13 : memref<5120xi32, #tpu.memory_space<vmem>>)
      tpu.yield
    }) : () -> ()
    "tpu.region"() ({
      %run_scoped3A = tpu.sem_alloc : memref<!tpu.dma_semaphore, #tpu.memory_space<semaphore_mem>>
      %dma_start3A_48 = tpu.memref_slice %arg11[%mul3A_2] : memref<163840xi32, #tpu.memory_space<hbm>> -> memref<5120xi32, #tpu.memory_space<hbm>>
      %dma_start3A_49 = tpu.memref_slice %arg11[%mul3A_2] : memref<163840xi32, #tpu.memory_space<hbm>> -> memref<5120xi32, #tpu.memory_space<hbm>>
      tpu.enqueue_dma source(%dma_start3A_49 : memref<5120xi32, #tpu.memory_space<hbm>>) target(%arg14 : memref<5120xi32, #tpu.memory_space<vmem>>) target_semaphore(%run_scoped3A : memref<!tpu.dma_semaphore, #tpu.memory_space<semaphore_mem>>)
      %dma_wait3A_50 = tpu.memref_slice %arg11[%mul3A_2] : memref<163840xi32, #tpu.memory_space<hbm>> -> memref<5120xi32, #tpu.memory_space<hbm>>
      %dma_wait3A_51 = tpu.memref_slice %arg11[%mul3A_2] : memref<163840xi32, #tpu.memory_space<hbm>> -> memref<5120xi32, #tpu.memory_space<hbm>>
      tpu.wait_dma2 semaphore(%run_scoped3A : memref<!tpu.dma_semaphore, #tpu.memory_space<semaphore_mem>>) src(%dma_wait3A_51 : memref<5120xi32, #tpu.memory_space<hbm>>) dst(%arg14 : memref<5120xi32, #tpu.memory_space<vmem>>)
      tpu.yield
    }) : () -> ()
    %dma_start3A = arith.constant 0 : i32
    %dma_start3A_3 = tpu.memref_slice %arg13[%dma_start3A] : memref<5120xi32, #tpu.memory_space<vmem>> -> memref<80xi32, #tpu.memory_space<vmem>>
    %dma_start3A_4 = arith.constant 0 : i32
    %dma_start3A_5 = arith.constant 0 : i32
    %dma_start3A_6 = tpu.memref_slice %arg2[%dma_start3A_4, %dma_start3A_5] : memref<10000x128xf32, #tpu.memory_space<hbm>> -> memref<10000x128xf32, #tpu.memory_space<hbm>>
    tpu.enqueue_indirect_dma source(%dma_start3A_6 : memref<10000x128xf32, #tpu.memory_space<hbm>>) target(%arg15 : memref<80x128xf32, #tpu.memory_space<vmem>>) offsets(%dma_start3A_3 : memref<80xi32, #tpu.memory_space<vmem>>) semaphore(%arg25 : memref<!tpu.dma_semaphore, #tpu.memory_space<semaphore_mem>>)
    %dma_start3A_7 = arith.constant 0 : i32
    %dma_start3A_8 = tpu.memref_slice %arg14[%dma_start3A_7] : memref<5120xi32, #tpu.memory_space<vmem>> -> memref<80xi32, #tpu.memory_space<vmem>>
    %dma_start3A_9 = arith.constant 0 : i32
    %dma_start3A_10 = arith.constant 0 : i32
    %dma_start3A_11 = tpu.memref_slice %arg6[%dma_start3A_9, %dma_start3A_10] : memref<10000x128xf32, #tpu.memory_space<hbm>> -> memref<10000x128xf32, #tpu.memory_space<hbm>>
    tpu.enqueue_indirect_dma source(%dma_start3A_11 : memref<10000x128xf32, #tpu.memory_space<hbm>>) target(%arg19 : memref<80x128xf32, #tpu.memory_space<vmem>>) offsets(%dma_start3A_8 : memref<80xi32, #tpu.memory_space<vmem>>) semaphore(%arg29 : memref<!tpu.dma_semaphore, #tpu.memory_space<semaphore_mem>>)
    %dma_start3A_12 = arith.constant 80 : i32
    %dma_start3A_13 = tpu.memref_slice %arg13[%dma_start3A_12] : memref<5120xi32, #tpu.memory_space<vmem>> -> memref<80xi32, #tpu.memory_space<vmem>>
    %dma_start3A_14 = arith.constant 0 : i32
    %dma_start3A_15 = arith.constant 0 : i32
    %dma_start3A_16 = tpu.memref_slice %arg3[%dma_start3A_14, %dma_start3A_15] : memref<10000x128xf32, #tpu.memory_space<hbm>> -> memref<10000x128xf32, #tpu.memory_space<hbm>>
    tpu.enqueue_indirect_dma source(%dma_start3A_16 : memref<10000x128xf32, #tpu.memory_space<hbm>>) target(%arg16 : memref<80x128xf32, #tpu.memory_space<vmem>>) offsets(%dma_start3A_13 : memref<80xi32, #tpu.memory_space<vmem>>) semaphore(%arg26 : memref<!tpu.dma_semaphore, #tpu.memory_space<semaphore_mem>>)
    %dma_start3A_17 = arith.constant 80 : i32
    %dma_start3A_18 = tpu.memref_slice %arg14[%dma_start3A_17] : memref<5120xi32, #tpu.memory_space<vmem>> -> memref<80xi32, #tpu.memory_space<vmem>>
    %dma_start3A_19 = arith.constant 0 : i32
    %dma_start3A_20 = arith.constant 0 : i32
    %dma_start3A_21 = tpu.memref_slice %arg7[%dma_start3A_19, %dma_start3A_20] : memref<10000x128xf32, #tpu.memory_space<hbm>> -> memref<10000x128xf32, #tpu.memory_space<hbm>>
    tpu.enqueue_indirect_dma source(%dma_start3A_21 : memref<10000x128xf32, #tpu.memory_space<hbm>>) target(%arg20 : memref<80x128xf32, #tpu.memory_space<vmem>>) offsets(%dma_start3A_18 : memref<80xi32, #tpu.memory_space<vmem>>) semaphore(%arg30 : memref<!tpu.dma_semaphore, #tpu.memory_space<semaphore_mem>>)
    %dma_start3A_22 = arith.constant 160 : i32
    %dma_start3A_23 = tpu.memref_slice %arg13[%dma_start3A_22] : memref<5120xi32, #tpu.memory_space<vmem>> -> memref<80xi32, #tpu.memory_space<vmem>>
    %dma_start3A_24 = arith.constant 0 : i32
    %dma_start3A_25 = arith.constant 0 : i32
    %dma_start3A_26 = tpu.memref_slice %arg4[%dma_start3A_24, %dma_start3A_25] : memref<10000x128xf32, #tpu.memory_space<hbm>> -> memref<10000x128xf32, #tpu.memory_space<hbm>>
    tpu.enqueue_indirect_dma source(%dma_start3A_26 : memref<10000x128xf32, #tpu.memory_space<hbm>>) target(%arg17 : memref<80x128xf32, #tpu.memory_space<vmem>>) offsets(%dma_start3A_23 : memref<80xi32, #tpu.memory_space<vmem>>) semaphore(%arg27 : memref<!tpu.dma_semaphore, #tpu.memory_space<semaphore_mem>>)
    %dma_start3A_27 = arith.constant 160 : i32
    %dma_start3A_28 = tpu.memref_slice %arg14[%dma_start3A_27] : memref<5120xi32, #tpu.memory_space<vmem>> -> memref<80xi32, #tpu.memory_space<vmem>>
    %dma_start3A_29 = arith.constant 0 : i32
    %dma_start3A_30 = arith.constant 0 : i32
    %dma_start3A_31 = tpu.memref_slice %arg8[%dma_start3A_29, %dma_start3A_30] : memref<10000x128xf32, #tpu.memory_space<hbm>> -> memref<10000x128xf32, #tpu.memory_space<hbm>>
    tpu.enqueue_indirect_dma source(%dma_start3A_31 : memref<10000x128xf32, #tpu.memory_space<hbm>>) target(%arg21 : memref<80x128xf32, #tpu.memory_space<vmem>>) offsets(%dma_start3A_28 : memref<80xi32, #tpu.memory_space<vmem>>) semaphore(%arg31 : memref<!tpu.dma_semaphore, #tpu.memory_space<semaphore_mem>>)
    %scan3A = arith.constant 0 : i32
    %scan3A_32 = arith.constant 0 : i32
    %scan3A_33 = arith.constant 16 : i32
    %scan3A_34 = arith.addi %scan3A_32, %scan3A_33 : i32
    %scan3A_35 = arith.constant 1 : i32
    scf.for %scan3A_48 = %scan3A_32 to %scan3A_34 step %scan3A_35  : i32 {
      %mul3A_49 = arith.constant 4 : i32
      %mul3A_50 = arith.muli %mul3A_49, %scan3A_48 : i32
      %add3A_51 = arith.constant 0 : i32
      %add3A_52 = arith.addi %mul3A_50, %add3A_51 : i32
      %mul3A_53 = arith.constant 80 : i32
      %mul3A_54 = arith.muli %add3A_52, %mul3A_53 : i32
      %dma_wait3A_55 = tpu.memref_slice %arg13[%mul3A_54] : memref<5120xi32, #tpu.memory_space<vmem>> -> memref<80xi32, #tpu.memory_space<vmem>>
      %dma_wait3A_56 = arith.constant 0 : i32
      %dma_wait3A_57 = arith.constant 0 : i32
      %dma_wait3A_58 = tpu.memref_slice %arg2[%dma_wait3A_56, %dma_wait3A_57] : memref<10000x128xf32, #tpu.memory_space<hbm>> -> memref<10000x128xf32, #tpu.memory_space<hbm>>
      tpu.wait_indirect_dma semaphore(%arg25 : memref<!tpu.dma_semaphore, #tpu.memory_space<semaphore_mem>>) src(%dma_wait3A_58 : memref<10000x128xf32, #tpu.memory_space<hbm>>) dst(%arg15 : memref<80x128xf32, #tpu.memory_space<vmem>>)
      %mul3A_59 = arith.constant 80 : i32
      %mul3A_60 = arith.muli %add3A_52, %mul3A_59 : i32
      %dma_wait3A_61 = tpu.memref_slice %arg14[%mul3A_60] : memref<5120xi32, #tpu.memory_space<vmem>> -> memref<80xi32, #tpu.memory_space<vmem>>
      %dma_wait3A_62 = arith.constant 0 : i32
      %dma_wait3A_63 = arith.constant 0 : i32
      %dma_wait3A_64 = tpu.memref_slice %arg6[%dma_wait3A_62, %dma_wait3A_63] : memref<10000x128xf32, #tpu.memory_space<hbm>> -> memref<10000x128xf32, #tpu.memory_space<hbm>>
      tpu.wait_indirect_dma semaphore(%arg29 : memref<!tpu.dma_semaphore, #tpu.memory_space<semaphore_mem>>) src(%dma_wait3A_64 : memref<10000x128xf32, #tpu.memory_space<hbm>>) dst(%arg19 : memref<80x128xf32, #tpu.memory_space<vmem>>)
      %gt3A = arith.constant 0 : i32
      %gt3A_65 = arith.cmpi sgt, %scan3A_48, %gt3A : i32
      %convert_element_type3A = arith.extui %gt3A_65 : i1 to i32
      %cond3A = arith.constant 0 : i32
      %cond3A_66 = arith.cmpi ne, %convert_element_type3A, %cond3A : i32
      scf.if %cond3A_66 {
        %sub3A_217 = arith.constant 2 : i32
        %sub3A_218 = arith.subi %add3A_52, %sub3A_217 : i32
        %mul3A_219 = arith.constant 80 : i32
        %mul3A_220 = arith.muli %sub3A_218, %mul3A_219 : i32
        %add3A_221 = arith.addi %mul3A_2, %mul3A_220 : i32
        %dma_wait3A_222 = arith.constant 0 : i32
        %dma_wait3A_223 = tpu.memref_slice %arg12[%add3A_221, %dma_wait3A_222] : memref<163840x128xf32, #tpu.memory_space<hbm>> -> memref<80x128xf32, #tpu.memory_space<hbm>>
        %dma_wait3A_224 = arith.constant 0 : i32
        %dma_wait3A_225 = tpu.memref_slice %arg12[%add3A_221, %dma_wait3A_224] : memref<163840x128xf32, #tpu.memory_space<hbm>> -> memref<80x128xf32, #tpu.memory_space<hbm>>
        tpu.wait_dma2 semaphore(%arg33 : memref<!tpu.dma_semaphore, #tpu.memory_space<semaphore_mem>>) src(%arg23 : memref<80x128xf32, #tpu.memory_space<vmem>>) dst(%dma_wait3A_225 : memref<80x128xf32, #tpu.memory_space<hbm>>)
      } else {
      }
      %scan3A_67 = arith.constant 0 : i32
      %scan3A_68 = arith.constant 0 : i32
      %scan3A_69 = arith.constant 80 : i32
      %scan3A_70 = arith.addi %scan3A_68, %scan3A_69 : i32
      %scan3A_71 = arith.constant 1 : i32
      scf.for %scan3A_217 = %scan3A_68 to %scan3A_70 step %scan3A_71  : i32 {
        %get3A = arith.index_cast %scan3A_217 : i32 to index
        %get3A_218 = arith.constant 0 : index
        %get3A_219 = tpu.vector_load %arg15[%get3A, %get3A_218] {strides = array<i32>} : memref<80x128xf32, #tpu.memory_space<vmem>>, vector<1x16xf32>,
        %get3A_220 = vector.shape_cast %get3A_219 : vector<1x16xf32> to vector<16xf32>
        %get3A_221 = arith.index_cast %scan3A_217 : i32 to index
        %get3A_222 = arith.constant 0 : index
        %get3A_223 = tpu.vector_load %arg19[%get3A_221, %get3A_222] {strides = array<i32>} : memref<80x128xf32, #tpu.memory_space<vmem>>, vector<1x16xf32>,
        %get3A_224 = vector.shape_cast %get3A_223 : vector<1x16xf32> to vector<16xf32>
        %add3A_225 = arith.addf %get3A_220, %get3A_224 : vector<16xf32>
        %swap3A = arith.index_cast %scan3A_217 : i32 to index
        %swap3A_226 = arith.constant 0 : index
        %swap3A_227 = tpu.vector_load %arg23[%swap3A, %swap3A_226] {strides = array<i32>} : memref<80x128xf32, #tpu.memory_space<vmem>>, vector<1x16xf32>,
        %swap3A_228 = vector.shape_cast %swap3A_227 : vector<1x16xf32> to vector<16xf32>
        %swap3A_229 = vector.shape_cast %add3A_225 : vector<16xf32> to vector<1x16xf32>
        tpu.vector_store %arg23[%swap3A, %swap3A_226], %swap3A_229 {strides = array<i32>} : memref<80x128xf32, #tpu.memory_space<vmem>>, vector<1x16xf32>,
        %get3A_230 = arith.index_cast %scan3A_217 : i32 to index
        %get3A_231 = arith.constant 16 : index
        %get3A_232 = tpu.vector_load %arg15[%get3A_230, %get3A_231] {strides = array<i32>} : memref<80x128xf32, #tpu.memory_space<vmem>>, vector<1x16xf32>,
        %get3A_233 = vector.shape_cast %get3A_232 : vector<1x16xf32> to vector<16xf32>
        %get3A_234 = arith.index_cast %scan3A_217 : i32 to index
        %get3A_235 = arith.constant 16 : index
        %get3A_236 = tpu.vector_load %arg19[%get3A_234, %get3A_235] {strides = array<i32>} : memref<80x128xf32, #tpu.memory_space<vmem>>, vector<1x16xf32>,
        %get3A_237 = vector.shape_cast %get3A_236 : vector<1x16xf32> to vector<16xf32>
        %add3A_238 = arith.addf %get3A_233, %get3A_237 : vector<16xf32>
        %swap3A_239 = arith.index_cast %scan3A_217 : i32 to index
        %swap3A_240 = arith.constant 16 : index
        %swap3A_241 = tpu.vector_load %arg23[%swap3A_239, %swap3A_240] {strides = array<i32>} : memref<80x128xf32, #tpu.memory_space<vmem>>, vector<1x16xf32>,
        %swap3A_242 = vector.shape_cast %swap3A_241 : vector<1x16xf32> to vector<16xf32>
        %swap3A_243 = vector.shape_cast %add3A_238 : vector<16xf32> to vector<1x16xf32>
        tpu.vector_store %arg23[%swap3A_239, %swap3A_240], %swap3A_243 {strides = array<i32>} : memref<80x128xf32, #tpu.memory_space<vmem>>, vector<1x16xf32>,
        %get3A_244 = arith.index_cast %scan3A_217 : i32 to index
        %get3A_245 = arith.constant 32 : index
        %get3A_246 = tpu.vector_load %arg15[%get3A_244, %get3A_245] {strides = array<i32>} : memref<80x128xf32, #tpu.memory_space<vmem>>, vector<1x16xf32>,
        %get3A_247 = vector.shape_cast %get3A_246 : vector<1x16xf32> to vector<16xf32>
        %get3A_248 = arith.index_cast %scan3A_217 : i32 to index
        %get3A_249 = arith.constant 32 : index
        %get3A_250 = tpu.vector_load %arg19[%get3A_248, %get3A_249] {strides = array<i32>} : memref<80x128xf32, #tpu.memory_space<vmem>>, vector<1x16xf32>,
        %get3A_251 = vector.shape_cast %get3A_250 : vector<1x16xf32> to vector<16xf32>
        %add3A_252 = arith.addf %get3A_247, %get3A_251 : vector<16xf32>
        %swap3A_253 = arith.index_cast %scan3A_217 : i32 to index
        %swap3A_254 = arith.constant 32 : index
        %swap3A_255 = tpu.vector_load %arg23[%swap3A_253, %swap3A_254] {strides = array<i32>} : memref<80x128xf32, #tpu.memory_space<vmem>>, vector<1x16xf32>,
        %swap3A_256 = vector.shape_cast %swap3A_255 : vector<1x16xf32> to vector<16xf32>
        %swap3A_257 = vector.shape_cast %add3A_252 : vector<16xf32> to vector<1x16xf32>
        tpu.vector_store %arg23[%swap3A_253, %swap3A_254], %swap3A_257 {strides = array<i32>} : memref<80x128xf32, #tpu.memory_space<vmem>>, vector<1x16xf32>,
        %get3A_258 = arith.index_cast %scan3A_217 : i32 to index
        %get3A_259 = arith.constant 48 : index
        %get3A_260 = tpu.vector_load %arg15[%get3A_258, %get3A_259] {strides = array<i32>} : memref<80x128xf32, #tpu.memory_space<vmem>>, vector<1x16xf32>,
        %get3A_261 = vector.shape_cast %get3A_260 : vector<1x16xf32> to vector<16xf32>
        %get3A_262 = arith.index_cast %scan3A_217 : i32 to index
        %get3A_263 = arith.constant 48 : index
        %get3A_264 = tpu.vector_load %arg19[%get3A_262, %get3A_263] {strides = array<i32>} : memref<80x128xf32, #tpu.memory_space<vmem>>, vector<1x16xf32>,
        %get3A_265 = vector.shape_cast %get3A_264 : vector<1x16xf32> to vector<16xf32>
        %add3A_266 = arith.addf %get3A_261, %get3A_265 : vector<16xf32>
        %swap3A_267 = arith.index_cast %scan3A_217 : i32 to index
        %swap3A_268 = arith.constant 48 : index
        %swap3A_269 = tpu.vector_load %arg23[%swap3A_267, %swap3A_268] {strides = array<i32>} : memref<80x128xf32, #tpu.memory_space<vmem>>, vector<1x16xf32>,
        %swap3A_270 = vector.shape_cast %swap3A_269 : vector<1x16xf32> to vector<16xf32>
        %swap3A_271 = vector.shape_cast %add3A_266 : vector<16xf32> to vector<1x16xf32>
        tpu.vector_store %arg23[%swap3A_267, %swap3A_268], %swap3A_271 {strides = array<i32>} : memref<80x128xf32, #tpu.memory_space<vmem>>, vector<1x16xf32>,
        %get3A_272 = arith.index_cast %scan3A_217 : i32 to index
        %get3A_273 = arith.constant 64 : index
        %get3A_274 = tpu.vector_load %arg15[%get3A_272, %get3A_273] {strides = array<i32>} : memref<80x128xf32, #tpu.memory_space<vmem>>, vector<1x16xf32>,
        %get3A_275 = vector.shape_cast %get3A_274 : vector<1x16xf32> to vector<16xf32>
        %get3A_276 = arith.index_cast %scan3A_217 : i32 to index
        %get3A_277 = arith.constant 64 : index
        %get3A_278 = tpu.vector_load %arg19[%get3A_276, %get3A_277] {strides = array<i32>} : memref<80x128xf32, #tpu.memory_space<vmem>>, vector<1x16xf32>,
        %get3A_279 = vector.shape_cast %get3A_278 : vector<1x16xf32> to vector<16xf32>
        %add3A_280 = arith.addf %get3A_275, %get3A_279 : vector<16xf32>
        %swap3A_281 = arith.index_cast %scan3A_217 : i32 to index
        %swap3A_282 = arith.constant 64 : index
        %swap3A_283 = tpu.vector_load %arg23[%swap3A_281, %swap3A_282] {strides = array<i32>} : memref<80x128xf32, #tpu.memory_space<vmem>>, vector<1x16xf32>,
        %swap3A_284 = vector.shape_cast %swap3A_283 : vector<1x16xf32> to vector<16xf32>
        %swap3A_285 = vector.shape_cast %add3A_280 : vector<16xf32> to vector<1x16xf32>
        tpu.vector_store %arg23[%swap3A_281, %swap3A_282], %swap3A_285 {strides = array<i32>} : memref<80x128xf32, #tpu.memory_space<vmem>>, vector<1x16xf32>,
        %get3A_286 = arith.index_cast %scan3A_217 : i32 to index
        %get3A_287 = arith.constant 80 : index
        %get3A_288 = tpu.vector_load %arg15[%get3A_286, %get3A_287] {strides = array<i32>} : memref<80x128xf32, #tpu.memory_space<vmem>>, vector<1x16xf32>,
        %get3A_289 = vector.shape_cast %get3A_288 : vector<1x16xf32> to vector<16xf32>
        %get3A_290 = arith.index_cast %scan3A_217 : i32 to index
        %get3A_291 = arith.constant 80 : index
        %get3A_292 = tpu.vector_load %arg19[%get3A_290, %get3A_291] {strides = array<i32>} : memref<80x128xf32, #tpu.memory_space<vmem>>, vector<1x16xf32>,
        %get3A_293 = vector.shape_cast %get3A_292 : vector<1x16xf32> to vector<16xf32>
        %add3A_294 = arith.addf %get3A_289, %get3A_293 : vector<16xf32>
        %swap3A_295 = arith.index_cast %scan3A_217 : i32 to index
        %swap3A_296 = arith.constant 80 : index
        %swap3A_297 = tpu.vector_load %arg23[%swap3A_295, %swap3A_296] {strides = array<i32>} : memref<80x128xf32, #tpu.memory_space<vmem>>, vector<1x16xf32>,
        %swap3A_298 = vector.shape_cast %swap3A_297 : vector<1x16xf32> to vector<16xf32>
        %swap3A_299 = vector.shape_cast %add3A_294 : vector<16xf32> to vector<1x16xf32>
        tpu.vector_store %arg23[%swap3A_295, %swap3A_296], %swap3A_299 {strides = array<i32>} : memref<80x128xf32, #tpu.memory_space<vmem>>, vector<1x16xf32>,
        %get3A_300 = arith.index_cast %scan3A_217 : i32 to index
        %get3A_301 = arith.constant 96 : index
        %get3A_302 = tpu.vector_load %arg15[%get3A_300, %get3A_301] {strides = array<i32>} : memref<80x128xf32, #tpu.memory_space<vmem>>, vector<1x16xf32>,
        %get3A_303 = vector.shape_cast %get3A_302 : vector<1x16xf32> to vector<16xf32>
        %get3A_304 = arith.index_cast %scan3A_217 : i32 to index
        %get3A_305 = arith.constant 96 : index
        %get3A_306 = tpu.vector_load %arg19[%get3A_304, %get3A_305] {strides = array<i32>} : memref<80x128xf32, #tpu.memory_space<vmem>>, vector<1x16xf32>,
        %get3A_307 = vector.shape_cast %get3A_306 : vector<1x16xf32> to vector<16xf32>
        %add3A_308 = arith.addf %get3A_303, %get3A_307 : vector<16xf32>
        %swap3A_309 = arith.index_cast %scan3A_217 : i32 to index
        %swap3A_310 = arith.constant 96 : index
        %swap3A_311 = tpu.vector_load %arg23[%swap3A_309, %swap3A_310] {strides = array<i32>} : memref<80x128xf32, #tpu.memory_space<vmem>>, vector<1x16xf32>,
        %swap3A_312 = vector.shape_cast %swap3A_311 : vector<1x16xf32> to vector<16xf32>
        %swap3A_313 = vector.shape_cast %add3A_308 : vector<16xf32> to vector<1x16xf32>
        tpu.vector_store %arg23[%swap3A_309, %swap3A_310], %swap3A_313 {strides = array<i32>} : memref<80x128xf32, #tpu.memory_space<vmem>>, vector<1x16xf32>,
        %get3A_314 = arith.index_cast %scan3A_217 : i32 to index
        %get3A_315 = arith.constant 112 : index
        %get3A_316 = tpu.vector_load %arg15[%get3A_314, %get3A_315] {strides = array<i32>} : memref<80x128xf32, #tpu.memory_space<vmem>>, vector<1x16xf32>,
        %get3A_317 = vector.shape_cast %get3A_316 : vector<1x16xf32> to vector<16xf32>
        %get3A_318 = arith.index_cast %scan3A_217 : i32 to index
        %get3A_319 = arith.constant 112 : index
        %get3A_320 = tpu.vector_load %arg19[%get3A_318, %get3A_319] {strides = array<i32>} : memref<80x128xf32, #tpu.memory_space<vmem>>, vector<1x16xf32>,
        %get3A_321 = vector.shape_cast %get3A_320 : vector<1x16xf32> to vector<16xf32>
        %add3A_322 = arith.addf %get3A_317, %get3A_321 : vector<16xf32>
        %swap3A_323 = arith.index_cast %scan3A_217 : i32 to index
        %swap3A_324 = arith.constant 112 : index
        %swap3A_325 = tpu.vector_load %arg23[%swap3A_323, %swap3A_324] {strides = array<i32>} : memref<80x128xf32, #tpu.memory_space<vmem>>, vector<1x16xf32>,
        %swap3A_326 = vector.shape_cast %swap3A_325 : vector<1x16xf32> to vector<16xf32>
        %swap3A_327 = vector.shape_cast %add3A_322 : vector<16xf32> to vector<1x16xf32>
        tpu.vector_store %arg23[%swap3A_323, %swap3A_324], %swap3A_327 {strides = array<i32>} : memref<80x128xf32, #tpu.memory_space<vmem>>, vector<1x16xf32>,
      }
      %scan3A_72 = arith.constant 80 : i32
      %add3A_73 = arith.constant 3 : i32
      %add3A_74 = arith.addi %add3A_52, %add3A_73 : i32
      %mul3A_75 = arith.constant 80 : i32
      %mul3A_76 = arith.muli %add3A_74, %mul3A_75 : i32
      %dma_start3A_77 = tpu.memref_slice %arg13[%mul3A_76] : memref<5120xi32, #tpu.memory_space<vmem>> -> memref<80xi32, #tpu.memory_space<vmem>>
      %dma_start3A_78 = arith.constant 0 : i32
      %dma_start3A_79 = arith.constant 0 : i32
      %dma_start3A_80 = tpu.memref_slice %arg5[%dma_start3A_78, %dma_start3A_79] : memref<10000x128xf32, #tpu.memory_space<hbm>> -> memref<10000x128xf32, #tpu.memory_space<hbm>>
      tpu.enqueue_indirect_dma source(%dma_start3A_80 : memref<10000x128xf32, #tpu.memory_space<hbm>>) target(%arg18 : memref<80x128xf32, #tpu.memory_space<vmem>>) offsets(%dma_start3A_77 : memref<80xi32, #tpu.memory_space<vmem>>) semaphore(%arg28 : memref<!tpu.dma_semaphore, #tpu.memory_space<semaphore_mem>>)
      %mul3A_81 = arith.constant 80 : i32
      %mul3A_82 = arith.muli %add3A_74, %mul3A_81 : i32
      %dma_start3A_83 = tpu.memref_slice %arg14[%mul3A_82] : memref<5120xi32, #tpu.memory_space<vmem>> -> memref<80xi32, #tpu.memory_space<vmem>>
      %dma_start3A_84 = arith.constant 0 : i32
      %dma_start3A_85 = arith.constant 0 : i32
      %dma_start3A_86 = tpu.memref_slice %arg9[%dma_start3A_84, %dma_start3A_85] : memref<10000x128xf32, #tpu.memory_space<hbm>> -> memref<10000x128xf32, #tpu.memory_space<hbm>>
      tpu.enqueue_indirect_dma source(%dma_start3A_86 : memref<10000x128xf32, #tpu.memory_space<hbm>>) target(%arg22 : memref<80x128xf32, #tpu.memory_space<vmem>>) offsets(%dma_start3A_83 : memref<80xi32, #tpu.memory_space<vmem>>) semaphore(%arg32 : memref<!tpu.dma_semaphore, #tpu.memory_space<semaphore_mem>>)
      %mul3A_87 = arith.constant 80 : i32
      %mul3A_88 = arith.muli %add3A_52, %mul3A_87 : i32
      %add3A_89 = arith.addi %mul3A_2, %mul3A_88 : i32
      %dma_start3A_90 = arith.constant 0 : i32
      %dma_start3A_91 = tpu.memref_slice %arg12[%add3A_89, %dma_start3A_90] : memref<163840x128xf32, #tpu.memory_space<hbm>> -> memref<80x128xf32, #tpu.memory_space<hbm>>
      %dma_start3A_92 = arith.constant 0 : i32
      %dma_start3A_93 = tpu.memref_slice %arg12[%add3A_89, %dma_start3A_92] : memref<163840x128xf32, #tpu.memory_space<hbm>> -> memref<80x128xf32, #tpu.memory_space<hbm>>
      tpu.enqueue_dma source(%arg23 : memref<80x128xf32, #tpu.memory_space<vmem>>) target(%dma_start3A_93 : memref<80x128xf32, #tpu.memory_space<hbm>>) target_semaphore(%arg33 : memref<!tpu.dma_semaphore, #tpu.memory_space<semaphore_mem>>)
      %mul3A_94 = arith.constant 4 : i32
      %mul3A_95 = arith.muli %mul3A_94, %scan3A_48 : i32
      %add3A_96 = arith.constant 1 : i32
      %add3A_97 = arith.addi %mul3A_95, %add3A_96 : i32
      %mul3A_98 = arith.constant 80 : i32
      %mul3A_99 = arith.muli %add3A_97, %mul3A_98 : i32
      %dma_wait3A_100 = tpu.memref_slice %arg13[%mul3A_99] : memref<5120xi32, #tpu.memory_space<vmem>> -> memref<80xi32, #tpu.memory_space<vmem>>
      %dma_wait3A_101 = arith.constant 0 : i32
      %dma_wait3A_102 = arith.constant 0 : i32
      %dma_wait3A_103 = tpu.memref_slice %arg3[%dma_wait3A_101, %dma_wait3A_102] : memref<10000x128xf32, #tpu.memory_space<hbm>> -> memref<10000x128xf32, #tpu.memory_space<hbm>>
      tpu.wait_indirect_dma semaphore(%arg26 : memref<!tpu.dma_semaphore, #tpu.memory_space<semaphore_mem>>) src(%dma_wait3A_103 : memref<10000x128xf32, #tpu.memory_space<hbm>>) dst(%arg16 : memref<80x128xf32, #tpu.memory_space<vmem>>)
      %mul3A_104 = arith.constant 80 : i32
      %mul3A_105 = arith.muli %add3A_97, %mul3A_104 : i32
      %dma_wait3A_106 = tpu.memref_slice %arg14[%mul3A_105] : memref<5120xi32, #tpu.memory_space<vmem>> -> memref<80xi32, #tpu.memory_space<vmem>>
      %dma_wait3A_107 = arith.constant 0 : i32
      %dma_wait3A_108 = arith.constant 0 : i32
      %dma_wait3A_109 = tpu.memref_slice %arg7[%dma_wait3A_107, %dma_wait3A_108] : memref<10000x128xf32, #tpu.memory_space<hbm>> -> memref<10000x128xf32, #tpu.memory_space<hbm>>
      tpu.wait_indirect_dma semaphore(%arg30 : memref<!tpu.dma_semaphore, #tpu.memory_space<semaphore_mem>>) src(%dma_wait3A_109 : memref<10000x128xf32, #tpu.memory_space<hbm>>) dst(%arg20 : memref<80x128xf32, #tpu.memory_space<vmem>>)
      %gt3A_110 = arith.constant 0 : i32
      %gt3A_111 = arith.cmpi sgt, %scan3A_48, %gt3A_110 : i32
      %convert_element_type3A_112 = arith.extui %gt3A_111 : i1 to i32
      %cond3A_113 = arith.constant 0 : i32
      %cond3A_114 = arith.cmpi ne, %convert_element_type3A_112, %cond3A_113 : i32
      scf.if %cond3A_114 {
        %sub3A_217 = arith.constant 2 : i32
        %sub3A_218 = arith.subi %add3A_97, %sub3A_217 : i32
        %mul3A_219 = arith.constant 80 : i32
        %mul3A_220 = arith.muli %sub3A_218, %mul3A_219 : i32
        %add3A_221 = arith.addi %mul3A_2, %mul3A_220 : i32
        %dma_wait3A_222 = arith.constant 0 : i32
        %dma_wait3A_223 = tpu.memref_slice %arg12[%add3A_221, %dma_wait3A_222] : memref<163840x128xf32, #tpu.memory_space<hbm>> -> memref<80x128xf32, #tpu.memory_space<hbm>>
        %dma_wait3A_224 = arith.constant 0 : i32
        %dma_wait3A_225 = tpu.memref_slice %arg12[%add3A_221, %dma_wait3A_224] : memref<163840x128xf32, #tpu.memory_space<hbm>> -> memref<80x128xf32, #tpu.memory_space<hbm>>
        tpu.wait_dma2 semaphore(%arg34 : memref<!tpu.dma_semaphore, #tpu.memory_space<semaphore_mem>>) src(%arg24 : memref<80x128xf32, #tpu.memory_space<vmem>>) dst(%dma_wait3A_225 : memref<80x128xf32, #tpu.memory_space<hbm>>)
      } else {
      }
      %scan3A_115 = arith.constant 0 : i32
      %scan3A_116 = arith.constant 0 : i32
      %scan3A_117 = arith.constant 80 : i32
      %scan3A_118 = arith.addi %scan3A_116, %scan3A_117 : i32
      %scan3A_119 = arith.constant 1 : i32
      scf.for %scan3A_217 = %scan3A_116 to %scan3A_118 step %scan3A_119  : i32 {
        %get3A = arith.index_cast %scan3A_217 : i32 to index
        %get3A_218 = arith.constant 0 : index
        %get3A_219 = tpu.vector_load %arg16[%get3A, %get3A_218] {strides = array<i32>} : memref<80x128xf32, #tpu.memory_space<vmem>>, vector<1x16xf32>,
        %get3A_220 = vector.shape_cast %get3A_219 : vector<1x16xf32> to vector<16xf32>
        %get3A_221 = arith.index_cast %scan3A_217 : i32 to index
        %get3A_222 = arith.constant 0 : index
        %get3A_223 = tpu.vector_load %arg20[%get3A_221, %get3A_222] {strides = array<i32>} : memref<80x128xf32, #tpu.memory_space<vmem>>, vector<1x16xf32>,
        %get3A_224 = vector.shape_cast %get3A_223 : vector<1x16xf32> to vector<16xf32>
        %add3A_225 = arith.addf %get3A_220, %get3A_224 : vector<16xf32>
        %swap3A = arith.index_cast %scan3A_217 : i32 to index
        %swap3A_226 = arith.constant 0 : index
        %swap3A_227 = tpu.vector_load %arg24[%swap3A, %swap3A_226] {strides = array<i32>} : memref<80x128xf32, #tpu.memory_space<vmem>>, vector<1x16xf32>,
        %swap3A_228 = vector.shape_cast %swap3A_227 : vector<1x16xf32> to vector<16xf32>
        %swap3A_229 = vector.shape_cast %add3A_225 : vector<16xf32> to vector<1x16xf32>
        tpu.vector_store %arg24[%swap3A, %swap3A_226], %swap3A_229 {strides = array<i32>} : memref<80x128xf32, #tpu.memory_space<vmem>>, vector<1x16xf32>,
        %get3A_230 = arith.index_cast %scan3A_217 : i32 to index
        %get3A_231 = arith.constant 16 : index
        %get3A_232 = tpu.vector_load %arg16[%get3A_230, %get3A_231] {strides = array<i32>} : memref<80x128xf32, #tpu.memory_space<vmem>>, vector<1x16xf32>,
        %get3A_233 = vector.shape_cast %get3A_232 : vector<1x16xf32> to vector<16xf32>
        %get3A_234 = arith.index_cast %scan3A_217 : i32 to index
        %get3A_235 = arith.constant 16 : index
        %get3A_236 = tpu.vector_load %arg20[%get3A_234, %get3A_235] {strides = array<i32>} : memref<80x128xf32, #tpu.memory_space<vmem>>, vector<1x16xf32>,
        %get3A_237 = vector.shape_cast %get3A_236 : vector<1x16xf32> to vector<16xf32>
        %add3A_238 = arith.addf %get3A_233, %get3A_237 : vector<16xf32>
        %swap3A_239 = arith.index_cast %scan3A_217 : i32 to index
        %swap3A_240 = arith.constant 16 : index
        %swap3A_241 = tpu.vector_load %arg24[%swap3A_239, %swap3A_240] {strides = array<i32>} : memref<80x128xf32, #tpu.memory_space<vmem>>, vector<1x16xf32>,
        %swap3A_242 = vector.shape_cast %swap3A_241 : vector<1x16xf32> to vector<16xf32>
        %swap3A_243 = vector.shape_cast %add3A_238 : vector<16xf32> to vector<1x16xf32>
        tpu.vector_store %arg24[%swap3A_239, %swap3A_240], %swap3A_243 {strides = array<i32>} : memref<80x128xf32, #tpu.memory_space<vmem>>, vector<1x16xf32>,
        %get3A_244 = arith.index_cast %scan3A_217 : i32 to index
        %get3A_245 = arith.constant 32 : index
        %get3A_246 = tpu.vector_load %arg16[%get3A_244, %get3A_245] {strides = array<i32>} : memref<80x128xf32, #tpu.memory_space<vmem>>, vector<1x16xf32>,
        %get3A_247 = vector.shape_cast %get3A_246 : vector<1x16xf32> to vector<16xf32>
        %get3A_248 = arith.index_cast %scan3A_217 : i32 to index
        %get3A_249 = arith.constant 32 : index
        %get3A_250 = tpu.vector_load %arg20[%get3A_248, %get3A_249] {strides = array<i32>} : memref<80x128xf32, #tpu.memory_space<vmem>>, vector<1x16xf32>,
        %get3A_251 = vector.shape_cast %get3A_250 : vector<1x16xf32> to vector<16xf32>
        %add3A_252 = arith.addf %get3A_247, %get3A_251 : vector<16xf32>
        %swap3A_253 = arith.index_cast %scan3A_217 : i32 to index
        %swap3A_254 = arith.constant 32 : index
        %swap3A_255 = tpu.vector_load %arg24[%swap3A_253, %swap3A_254] {strides = array<i32>} : memref<80x128xf32, #tpu.memory_space<vmem>>, vector<1x16xf32>,
        %swap3A_256 = vector.shape_cast %swap3A_255 : vector<1x16xf32> to vector<16xf32>
        %swap3A_257 = vector.shape_cast %add3A_252 : vector<16xf32> to vector<1x16xf32>
        tpu.vector_store %arg24[%swap3A_253, %swap3A_254], %swap3A_257 {strides = array<i32>} : memref<80x128xf32, #tpu.memory_space<vmem>>, vector<1x16xf32>,
        %get3A_258 = arith.index_cast %scan3A_217 : i32 to index
        %get3A_259 = arith.constant 48 : index
        %get3A_260 = tpu.vector_load %arg16[%get3A_258, %get3A_259] {strides = array<i32>} : memref<80x128xf32, #tpu.memory_space<vmem>>, vector<1x16xf32>,
        %get3A_261 = vector.shape_cast %get3A_260 : vector<1x16xf32> to vector<16xf32>
        %get3A_262 = arith.index_cast %scan3A_217 : i32 to index
        %get3A_263 = arith.constant 48 : index
        %get3A_264 = tpu.vector_load %arg20[%get3A_262, %get3A_263] {strides = array<i32>} : memref<80x128xf32, #tpu.memory_space<vmem>>, vector<1x16xf32>,
        %get3A_265 = vector.shape_cast %get3A_264 : vector<1x16xf32> to vector<16xf32>
        %add3A_266 = arith.addf %get3A_261, %get3A_265 : vector<16xf32>
        %swap3A_267 = arith.index_cast %scan3A_217 : i32 to index
        %swap3A_268 = arith.constant 48 : index
        %swap3A_269 = tpu.vector_load %arg24[%swap3A_267, %swap3A_268] {strides = array<i32>} : memref<80x128xf32, #tpu.memory_space<vmem>>, vector<1x16xf32>,
        %swap3A_270 = vector.shape_cast %swap3A_269 : vector<1x16xf32> to vector<16xf32>
        %swap3A_271 = vector.shape_cast %add3A_266 : vector<16xf32> to vector<1x16xf32>
        tpu.vector_store %arg24[%swap3A_267, %swap3A_268], %swap3A_271 {strides = array<i32>} : memref<80x128xf32, #tpu.memory_space<vmem>>, vector<1x16xf32>,
        %get3A_272 = arith.index_cast %scan3A_217 : i32 to index
        %get3A_273 = arith.constant 64 : index
        %get3A_274 = tpu.vector_load %arg16[%get3A_272, %get3A_273] {strides = array<i32>} : memref<80x128xf32, #tpu.memory_space<vmem>>, vector<1x16xf32>,
        %get3A_275 = vector.shape_cast %get3A_274 : vector<1x16xf32> to vector<16xf32>
        %get3A_276 = arith.index_cast %scan3A_217 : i32 to index
        %get3A_277 = arith.constant 64 : index
        %get3A_278 = tpu.vector_load %arg20[%get3A_276, %get3A_277] {strides = array<i32>} : memref<80x128xf32, #tpu.memory_space<vmem>>, vector<1x16xf32>,
        %get3A_279 = vector.shape_cast %get3A_278 : vector<1x16xf32> to vector<16xf32>
        %add3A_280 = arith.addf %get3A_275, %get3A_279 : vector<16xf32>
        %swap3A_281 = arith.index_cast %scan3A_217 : i32 to index
        %swap3A_282 = arith.constant 64 : index
        %swap3A_283 = tpu.vector_load %arg24[%swap3A_281, %swap3A_282] {strides = array<i32>} : memref<80x128xf32, #tpu.memory_space<vmem>>, vector<1x16xf32>,
        %swap3A_284 = vector.shape_cast %swap3A_283 : vector<1x16xf32> to vector<16xf32>
        %swap3A_285 = vector.shape_cast %add3A_280 : vector<16xf32> to vector<1x16xf32>
        tpu.vector_store %arg24[%swap3A_281, %swap3A_282], %swap3A_285 {strides = array<i32>} : memref<80x128xf32, #tpu.memory_space<vmem>>, vector<1x16xf32>,
        %get3A_286 = arith.index_cast %scan3A_217 : i32 to index
        %get3A_287 = arith.constant 80 : index
        %get3A_288 = tpu.vector_load %arg16[%get3A_286, %get3A_287] {strides = array<i32>} : memref<80x128xf32, #tpu.memory_space<vmem>>, vector<1x16xf32>,
        %get3A_289 = vector.shape_cast %get3A_288 : vector<1x16xf32> to vector<16xf32>
        %get3A_290 = arith.index_cast %scan3A_217 : i32 to index
        %get3A_291 = arith.constant 80 : index
        %get3A_292 = tpu.vector_load %arg20[%get3A_290, %get3A_291] {strides = array<i32>} : memref<80x128xf32, #tpu.memory_space<vmem>>, vector<1x16xf32>,
        %get3A_293 = vector.shape_cast %get3A_292 : vector<1x16xf32> to vector<16xf32>
        %add3A_294 = arith.addf %get3A_289, %get3A_293 : vector<16xf32>
        %swap3A_295 = arith.index_cast %scan3A_217 : i32 to index
        %swap3A_296 = arith.constant 80 : index
        %swap3A_297 = tpu.vector_load %arg24[%swap3A_295, %swap3A_296] {strides = array<i32>} : memref<80x128xf32, #tpu.memory_space<vmem>>, vector<1x16xf32>,
        %swap3A_298 = vector.shape_cast %swap3A_297 : vector<1x16xf32> to vector<16xf32>
        %swap3A_299 = vector.shape_cast %add3A_294 : vector<16xf32> to vector<1x16xf32>
        tpu.vector_store %arg24[%swap3A_295, %swap3A_296], %swap3A_299 {strides = array<i32>} : memref<80x128xf32, #tpu.memory_space<vmem>>, vector<1x16xf32>,
        %get3A_300 = arith.index_cast %scan3A_217 : i32 to index
        %get3A_301 = arith.constant 96 : index
        %get3A_302 = tpu.vector_load %arg16[%get3A_300, %get3A_301] {strides = array<i32>} : memref<80x128xf32, #tpu.memory_space<vmem>>, vector<1x16xf32>,
        %get3A_303 = vector.shape_cast %get3A_302 : vector<1x16xf32> to vector<16xf32>
        %get3A_304 = arith.index_cast %scan3A_217 : i32 to index
        %get3A_305 = arith.constant 96 : index
        %get3A_306 = tpu.vector_load %arg20[%get3A_304, %get3A_305] {strides = array<i32>} : memref<80x128xf32, #tpu.memory_space<vmem>>, vector<1x16xf32>,
        %get3A_307 = vector.shape_cast %get3A_306 : vector<1x16xf32> to vector<16xf32>
        %add3A_308 = arith.addf %get3A_303, %get3A_307 : vector<16xf32>
        %swap3A_309 = arith.index_cast %scan3A_217 : i32 to index
        %swap3A_310 = arith.constant 96 : index
        %swap3A_311 = tpu.vector_load %arg24[%swap3A_309, %swap3A_310] {strides = array<i32>} : memref<80x128xf32, #tpu.memory_space<vmem>>, vector<1x16xf32>,
        %swap3A_312 = vector.shape_cast %swap3A_311 : vector<1x16xf32> to vector<16xf32>
        %swap3A_313 = vector.shape_cast %add3A_308 : vector<16xf32> to vector<1x16xf32>
        tpu.vector_store %arg24[%swap3A_309, %swap3A_310], %swap3A_313 {strides = array<i32>} : memref<80x128xf32, #tpu.memory_space<vmem>>, vector<1x16xf32>,
        %get3A_314 = arith.index_cast %scan3A_217 : i32 to index
        %get3A_315 = arith.constant 112 : index
        %get3A_316 = tpu.vector_load %arg16[%get3A_314, %get3A_315] {strides = array<i32>} : memref<80x128xf32, #tpu.memory_space<vmem>>, vector<1x16xf32>,
        %get3A_317 = vector.shape_cast %get3A_316 : vector<1x16xf32> to vector<16xf32>
        %get3A_318 = arith.index_cast %scan3A_217 : i32 to index
        %get3A_319 = arith.constant 112 : index
        %get3A_320 = tpu.vector_load %arg20[%get3A_318, %get3A_319] {strides = array<i32>} : memref<80x128xf32, #tpu.memory_space<vmem>>, vector<1x16xf32>,
        %get3A_321 = vector.shape_cast %get3A_320 : vector<1x16xf32> to vector<16xf32>
        %add3A_322 = arith.addf %get3A_317, %get3A_321 : vector<16xf32>
        %swap3A_323 = arith.index_cast %scan3A_217 : i32 to index
        %swap3A_324 = arith.constant 112 : index
        %swap3A_325 = tpu.vector_load %arg24[%swap3A_323, %swap3A_324] {strides = array<i32>} : memref<80x128xf32, #tpu.memory_space<vmem>>, vector<1x16xf32>,
        %swap3A_326 = vector.shape_cast %swap3A_325 : vector<1x16xf32> to vector<16xf32>
        %swap3A_327 = vector.shape_cast %add3A_322 : vector<16xf32> to vector<1x16xf32>
        tpu.vector_store %arg24[%swap3A_323, %swap3A_324], %swap3A_327 {strides = array<i32>} : memref<80x128xf32, #tpu.memory_space<vmem>>, vector<1x16xf32>,
      }
      %scan3A_120 = arith.constant 80 : i32
      %lt3A = arith.constant 15 : i32
      %lt3A_121 = arith.cmpi slt, %scan3A_48, %lt3A : i32
      %convert_element_type3A_122 = arith.extui %lt3A_121 : i1 to i32
      %cond3A_123 = arith.constant 0 : i32
      %cond3A_124 = arith.cmpi ne, %convert_element_type3A_122, %cond3A_123 : i32
      scf.if %cond3A_124 {
        %add3A_217 = arith.constant 3 : i32
        %add3A_218 = arith.addi %add3A_97, %add3A_217 : i32
        %mul3A_219 = arith.constant 80 : i32
        %mul3A_220 = arith.muli %add3A_218, %mul3A_219 : i32
        %dma_start3A_221 = tpu.memref_slice %arg13[%mul3A_220] : memref<5120xi32, #tpu.memory_space<vmem>> -> memref<80xi32, #tpu.memory_space<vmem>>
        %dma_start3A_222 = arith.constant 0 : i32
        %dma_start3A_223 = arith.constant 0 : i32
        %dma_start3A_224 = tpu.memref_slice %arg2[%dma_start3A_222, %dma_start3A_223] : memref<10000x128xf32, #tpu.memory_space<hbm>> -> memref<10000x128xf32, #tpu.memory_space<hbm>>
        tpu.enqueue_indirect_dma source(%dma_start3A_224 : memref<10000x128xf32, #tpu.memory_space<hbm>>) target(%arg15 : memref<80x128xf32, #tpu.memory_space<vmem>>) offsets(%dma_start3A_221 : memref<80xi32, #tpu.memory_space<vmem>>) semaphore(%arg25 : memref<!tpu.dma_semaphore, #tpu.memory_space<semaphore_mem>>)
        %mul3A_225 = arith.constant 80 : i32
        %mul3A_226 = arith.muli %add3A_218, %mul3A_225 : i32
        %dma_start3A_227 = tpu.memref_slice %arg14[%mul3A_226] : memref<5120xi32, #tpu.memory_space<vmem>> -> memref<80xi32, #tpu.memory_space<vmem>>
        %dma_start3A_228 = arith.constant 0 : i32
        %dma_start3A_229 = arith.constant 0 : i32
        %dma_start3A_230 = tpu.memref_slice %arg6[%dma_start3A_228, %dma_start3A_229] : memref<10000x128xf32, #tpu.memory_space<hbm>> -> memref<10000x128xf32, #tpu.memory_space<hbm>>
        tpu.enqueue_indirect_dma source(%dma_start3A_230 : memref<10000x128xf32, #tpu.memory_space<hbm>>) target(%arg19 : memref<80x128xf32, #tpu.memory_space<vmem>>) offsets(%dma_start3A_227 : memref<80xi32, #tpu.memory_space<vmem>>) semaphore(%arg29 : memref<!tpu.dma_semaphore, #tpu.memory_space<semaphore_mem>>)
      } else {
      }
      %mul3A_125 = arith.constant 80 : i32
      %mul3A_126 = arith.muli %add3A_97, %mul3A_125 : i32
      %add3A_127 = arith.addi %mul3A_2, %mul3A_126 : i32
      %dma_start3A_128 = arith.constant 0 : i32
      %dma_start3A_129 = tpu.memref_slice %arg12[%add3A_127, %dma_start3A_128] : memref<163840x128xf32, #tpu.memory_space<hbm>> -> memref<80x128xf32, #tpu.memory_space<hbm>>
      %dma_start3A_130 = arith.constant 0 : i32
      %dma_start3A_131 = tpu.memref_slice %arg12[%add3A_127, %dma_start3A_130] : memref<163840x128xf32, #tpu.memory_space<hbm>> -> memref<80x128xf32, #tpu.memory_space<hbm>>
      tpu.enqueue_dma source(%arg24 : memref<80x128xf32, #tpu.memory_space<vmem>>) target(%dma_start3A_131 : memref<80x128xf32, #tpu.memory_space<hbm>>) target_semaphore(%arg34 : memref<!tpu.dma_semaphore, #tpu.memory_space<semaphore_mem>>)
      %mul3A_132 = arith.constant 4 : i32
      %mul3A_133 = arith.muli %mul3A_132, %scan3A_48 : i32
      %add3A_134 = arith.constant 2 : i32
      %add3A_135 = arith.addi %mul3A_133, %add3A_134 : i32
      %mul3A_136 = arith.constant 80 : i32
      %mul3A_137 = arith.muli %add3A_135, %mul3A_136 : i32
      %dma_wait3A_138 = tpu.memref_slice %arg13[%mul3A_137] : memref<5120xi32, #tpu.memory_space<vmem>> -> memref<80xi32, #tpu.memory_space<vmem>>
      %dma_wait3A_139 = arith.constant 0 : i32
      %dma_wait3A_140 = arith.constant 0 : i32
      %dma_wait3A_141 = tpu.memref_slice %arg4[%dma_wait3A_139, %dma_wait3A_140] : memref<10000x128xf32, #tpu.memory_space<hbm>> -> memref<10000x128xf32, #tpu.memory_space<hbm>>
      tpu.wait_indirect_dma semaphore(%arg27 : memref<!tpu.dma_semaphore, #tpu.memory_space<semaphore_mem>>) src(%dma_wait3A_141 : memref<10000x128xf32, #tpu.memory_space<hbm>>) dst(%arg17 : memref<80x128xf32, #tpu.memory_space<vmem>>)
      %mul3A_142 = arith.constant 80 : i32
      %mul3A_143 = arith.muli %add3A_135, %mul3A_142 : i32
      %dma_wait3A_144 = tpu.memref_slice %arg14[%mul3A_143] : memref<5120xi32, #tpu.memory_space<vmem>> -> memref<80xi32, #tpu.memory_space<vmem>>
      %dma_wait3A_145 = arith.constant 0 : i32
      %dma_wait3A_146 = arith.constant 0 : i32
      %dma_wait3A_147 = tpu.memref_slice %arg8[%dma_wait3A_145, %dma_wait3A_146] : memref<10000x128xf32, #tpu.memory_space<hbm>> -> memref<10000x128xf32, #tpu.memory_space<hbm>>
      tpu.wait_indirect_dma semaphore(%arg31 : memref<!tpu.dma_semaphore, #tpu.memory_space<semaphore_mem>>) src(%dma_wait3A_147 : memref<10000x128xf32, #tpu.memory_space<hbm>>) dst(%arg21 : memref<80x128xf32, #tpu.memory_space<vmem>>)
      %sub3A = arith.constant 2 : i32
      %sub3A_148 = arith.subi %add3A_135, %sub3A : i32
      %mul3A_149 = arith.constant 80 : i32
      %mul3A_150 = arith.muli %sub3A_148, %mul3A_149 : i32
      %add3A_151 = arith.addi %mul3A_2, %mul3A_150 : i32
      %dma_wait3A_152 = arith.constant 0 : i32
      %dma_wait3A_153 = tpu.memref_slice %arg12[%add3A_151, %dma_wait3A_152] : memref<163840x128xf32, #tpu.memory_space<hbm>> -> memref<80x128xf32, #tpu.memory_space<hbm>>
      %dma_wait3A_154 = arith.constant 0 : i32
      %dma_wait3A_155 = tpu.memref_slice %arg12[%add3A_151, %dma_wait3A_154] : memref<163840x128xf32, #tpu.memory_space<hbm>> -> memref<80x128xf32, #tpu.memory_space<hbm>>
      tpu.wait_dma2 semaphore(%arg33 : memref<!tpu.dma_semaphore, #tpu.memory_space<semaphore_mem>>) src(%arg23 : memref<80x128xf32, #tpu.memory_space<vmem>>) dst(%dma_wait3A_155 : memref<80x128xf32, #tpu.memory_space<hbm>>)
      %scan3A_156 = arith.constant 0 : i32
      %scan3A_157 = arith.constant 0 : i32
      %scan3A_158 = arith.constant 80 : i32
      %scan3A_159 = arith.addi %scan3A_157, %scan3A_158 : i32
      %scan3A_160 = arith.constant 1 : i32
      scf.for %scan3A_217 = %scan3A_157 to %scan3A_159 step %scan3A_160  : i32 {
        %get3A = arith.index_cast %scan3A_217 : i32 to index
        %get3A_218 = arith.constant 0 : index
        %get3A_219 = tpu.vector_load %arg17[%get3A, %get3A_218] {strides = array<i32>} : memref<80x128xf32, #tpu.memory_space<vmem>>, vector<1x16xf32>,
        %get3A_220 = vector.shape_cast %get3A_219 : vector<1x16xf32> to vector<16xf32>
        %get3A_221 = arith.index_cast %scan3A_217 : i32 to index
        %get3A_222 = arith.constant 0 : index
        %get3A_223 = tpu.vector_load %arg21[%get3A_221, %get3A_222] {strides = array<i32>} : memref<80x128xf32, #tpu.memory_space<vmem>>, vector<1x16xf32>,
        %get3A_224 = vector.shape_cast %get3A_223 : vector<1x16xf32> to vector<16xf32>
        %add3A_225 = arith.addf %get3A_220, %get3A_224 : vector<16xf32>
        %swap3A = arith.index_cast %scan3A_217 : i32 to index
        %swap3A_226 = arith.constant 0 : index
        %swap3A_227 = tpu.vector_load %arg23[%swap3A, %swap3A_226] {strides = array<i32>} : memref<80x128xf32, #tpu.memory_space<vmem>>, vector<1x16xf32>,
        %swap3A_228 = vector.shape_cast %swap3A_227 : vector<1x16xf32> to vector<16xf32>
        %swap3A_229 = vector.shape_cast %add3A_225 : vector<16xf32> to vector<1x16xf32>
        tpu.vector_store %arg23[%swap3A, %swap3A_226], %swap3A_229 {strides = array<i32>} : memref<80x128xf32, #tpu.memory_space<vmem>>, vector<1x16xf32>,
        %get3A_230 = arith.index_cast %scan3A_217 : i32 to index
        %get3A_231 = arith.constant 16 : index
        %get3A_232 = tpu.vector_load %arg17[%get3A_230, %get3A_231] {strides = array<i32>} : memref<80x128xf32, #tpu.memory_space<vmem>>, vector<1x16xf32>,
        %get3A_233 = vector.shape_cast %get3A_232 : vector<1x16xf32> to vector<16xf32>
        %get3A_234 = arith.index_cast %scan3A_217 : i32 to index
        %get3A_235 = arith.constant 16 : index
        %get3A_236 = tpu.vector_load %arg21[%get3A_234, %get3A_235] {strides = array<i32>} : memref<80x128xf32, #tpu.memory_space<vmem>>, vector<1x16xf32>,
        %get3A_237 = vector.shape_cast %get3A_236 : vector<1x16xf32> to vector<16xf32>
        %add3A_238 = arith.addf %get3A_233, %get3A_237 : vector<16xf32>
        %swap3A_239 = arith.index_cast %scan3A_217 : i32 to index
        %swap3A_240 = arith.constant 16 : index
        %swap3A_241 = tpu.vector_load %arg23[%swap3A_239, %swap3A_240] {strides = array<i32>} : memref<80x128xf32, #tpu.memory_space<vmem>>, vector<1x16xf32>,
        %swap3A_242 = vector.shape_cast %swap3A_241 : vector<1x16xf32> to vector<16xf32>
        %swap3A_243 = vector.shape_cast %add3A_238 : vector<16xf32> to vector<1x16xf32>
        tpu.vector_store %arg23[%swap3A_239, %swap3A_240], %swap3A_243 {strides = array<i32>} : memref<80x128xf32, #tpu.memory_space<vmem>>, vector<1x16xf32>,
        %get3A_244 = arith.index_cast %scan3A_217 : i32 to index
        %get3A_245 = arith.constant 32 : index
        %get3A_246 = tpu.vector_load %arg17[%get3A_244, %get3A_245] {strides = array<i32>} : memref<80x128xf32, #tpu.memory_space<vmem>>, vector<1x16xf32>,
        %get3A_247 = vector.shape_cast %get3A_246 : vector<1x16xf32> to vector<16xf32>
        %get3A_248 = arith.index_cast %scan3A_217 : i32 to index
        %get3A_249 = arith.constant 32 : index
        %get3A_250 = tpu.vector_load %arg21[%get3A_248, %get3A_249] {strides = array<i32>} : memref<80x128xf32, #tpu.memory_space<vmem>>, vector<1x16xf32>,
        %get3A_251 = vector.shape_cast %get3A_250 : vector<1x16xf32> to vector<16xf32>
        %add3A_252 = arith.addf %get3A_247, %get3A_251 : vector<16xf32>
        %swap3A_253 = arith.index_cast %scan3A_217 : i32 to index
        %swap3A_254 = arith.constant 32 : index
        %swap3A_255 = tpu.vector_load %arg23[%swap3A_253, %swap3A_254] {strides = array<i32>} : memref<80x128xf32, #tpu.memory_space<vmem>>, vector<1x16xf32>,
        %swap3A_256 = vector.shape_cast %swap3A_255 : vector<1x16xf32> to vector<16xf32>
        %swap3A_257 = vector.shape_cast %add3A_252 : vector<16xf32> to vector<1x16xf32>
        tpu.vector_store %arg23[%swap3A_253, %swap3A_254], %swap3A_257 {strides = array<i32>} : memref<80x128xf32, #tpu.memory_space<vmem>>, vector<1x16xf32>,
        %get3A_258 = arith.index_cast %scan3A_217 : i32 to index
        %get3A_259 = arith.constant 48 : index
        %get3A_260 = tpu.vector_load %arg17[%get3A_258, %get3A_259] {strides = array<i32>} : memref<80x128xf32, #tpu.memory_space<vmem>>, vector<1x16xf32>,
        %get3A_261 = vector.shape_cast %get3A_260 : vector<1x16xf32> to vector<16xf32>
        %get3A_262 = arith.index_cast %scan3A_217 : i32 to index
        %get3A_263 = arith.constant 48 : index
        %get3A_264 = tpu.vector_load %arg21[%get3A_262, %get3A_263] {strides = array<i32>} : memref<80x128xf32, #tpu.memory_space<vmem>>, vector<1x16xf32>,
        %get3A_265 = vector.shape_cast %get3A_264 : vector<1x16xf32> to vector<16xf32>
        %add3A_266 = arith.addf %get3A_261, %get3A_265 : vector<16xf32>
        %swap3A_267 = arith.index_cast %scan3A_217 : i32 to index
        %swap3A_268 = arith.constant 48 : index
        %swap3A_269 = tpu.vector_load %arg23[%swap3A_267, %swap3A_268] {strides = array<i32>} : memref<80x128xf32, #tpu.memory_space<vmem>>, vector<1x16xf32>,
        %swap3A_270 = vector.shape_cast %swap3A_269 : vector<1x16xf32> to vector<16xf32>
        %swap3A_271 = vector.shape_cast %add3A_266 : vector<16xf32> to vector<1x16xf32>
        tpu.vector_store %arg23[%swap3A_267, %swap3A_268], %swap3A_271 {strides = array<i32>} : memref<80x128xf32, #tpu.memory_space<vmem>>, vector<1x16xf32>,
        %get3A_272 = arith.index_cast %scan3A_217 : i32 to index
        %get3A_273 = arith.constant 64 : index
        %get3A_274 = tpu.vector_load %arg17[%get3A_272, %get3A_273] {strides = array<i32>} : memref<80x128xf32, #tpu.memory_space<vmem>>, vector<1x16xf32>,
        %get3A_275 = vector.shape_cast %get3A_274 : vector<1x16xf32> to vector<16xf32>
        %get3A_276 = arith.index_cast %scan3A_217 : i32 to index
        %get3A_277 = arith.constant 64 : index
        %get3A_278 = tpu.vector_load %arg21[%get3A_276, %get3A_277] {strides = array<i32>} : memref<80x128xf32, #tpu.memory_space<vmem>>, vector<1x16xf32>,
        %get3A_279 = vector.shape_cast %get3A_278 : vector<1x16xf32> to vector<16xf32>
        %add3A_280 = arith.addf %get3A_275, %get3A_279 : vector<16xf32>
        %swap3A_281 = arith.index_cast %scan3A_217 : i32 to index
        %swap3A_282 = arith.constant 64 : index
        %swap3A_283 = tpu.vector_load %arg23[%swap3A_281, %swap3A_282] {strides = array<i32>} : memref<80x128xf32, #tpu.memory_space<vmem>>, vector<1x16xf32>,
        %swap3A_284 = vector.shape_cast %swap3A_283 : vector<1x16xf32> to vector<16xf32>
        %swap3A_285 = vector.shape_cast %add3A_280 : vector<16xf32> to vector<1x16xf32>
        tpu.vector_store %arg23[%swap3A_281, %swap3A_282], %swap3A_285 {strides = array<i32>} : memref<80x128xf32, #tpu.memory_space<vmem>>, vector<1x16xf32>,
        %get3A_286 = arith.index_cast %scan3A_217 : i32 to index
        %get3A_287 = arith.constant 80 : index
        %get3A_288 = tpu.vector_load %arg17[%get3A_286, %get3A_287] {strides = array<i32>} : memref<80x128xf32, #tpu.memory_space<vmem>>, vector<1x16xf32>,
        %get3A_289 = vector.shape_cast %get3A_288 : vector<1x16xf32> to vector<16xf32>
        %get3A_290 = arith.index_cast %scan3A_217 : i32 to index
        %get3A_291 = arith.constant 80 : index
        %get3A_292 = tpu.vector_load %arg21[%get3A_290, %get3A_291] {strides = array<i32>} : memref<80x128xf32, #tpu.memory_space<vmem>>, vector<1x16xf32>,
        %get3A_293 = vector.shape_cast %get3A_292 : vector<1x16xf32> to vector<16xf32>
        %add3A_294 = arith.addf %get3A_289, %get3A_293 : vector<16xf32>
        %swap3A_295 = arith.index_cast %scan3A_217 : i32 to index
        %swap3A_296 = arith.constant 80 : index
        %swap3A_297 = tpu.vector_load %arg23[%swap3A_295, %swap3A_296] {strides = array<i32>} : memref<80x128xf32, #tpu.memory_space<vmem>>, vector<1x16xf32>,
        %swap3A_298 = vector.shape_cast %swap3A_297 : vector<1x16xf32> to vector<16xf32>
        %swap3A_299 = vector.shape_cast %add3A_294 : vector<16xf32> to vector<1x16xf32>
        tpu.vector_store %arg23[%swap3A_295, %swap3A_296], %swap3A_299 {strides = array<i32>} : memref<80x128xf32, #tpu.memory_space<vmem>>, vector<1x16xf32>,
        %get3A_300 = arith.index_cast %scan3A_217 : i32 to index
        %get3A_301 = arith.constant 96 : index
        %get3A_302 = tpu.vector_load %arg17[%get3A_300, %get3A_301] {strides = array<i32>} : memref<80x128xf32, #tpu.memory_space<vmem>>, vector<1x16xf32>,
        %get3A_303 = vector.shape_cast %get3A_302 : vector<1x16xf32> to vector<16xf32>
        %get3A_304 = arith.index_cast %scan3A_217 : i32 to index
        %get3A_305 = arith.constant 96 : index
        %get3A_306 = tpu.vector_load %arg21[%get3A_304, %get3A_305] {strides = array<i32>} : memref<80x128xf32, #tpu.memory_space<vmem>>, vector<1x16xf32>,
        %get3A_307 = vector.shape_cast %get3A_306 : vector<1x16xf32> to vector<16xf32>
        %add3A_308 = arith.addf %get3A_303, %get3A_307 : vector<16xf32>
        %swap3A_309 = arith.index_cast %scan3A_217 : i32 to index
        %swap3A_310 = arith.constant 96 : index
        %swap3A_311 = tpu.vector_load %arg23[%swap3A_309, %swap3A_310] {strides = array<i32>} : memref<80x128xf32, #tpu.memory_space<vmem>>, vector<1x16xf32>,
        %swap3A_312 = vector.shape_cast %swap3A_311 : vector<1x16xf32> to vector<16xf32>
        %swap3A_313 = vector.shape_cast %add3A_308 : vector<16xf32> to vector<1x16xf32>
        tpu.vector_store %arg23[%swap3A_309, %swap3A_310], %swap3A_313 {strides = array<i32>} : memref<80x128xf32, #tpu.memory_space<vmem>>, vector<1x16xf32>,
        %get3A_314 = arith.index_cast %scan3A_217 : i32 to index
        %get3A_315 = arith.constant 112 : index
        %get3A_316 = tpu.vector_load %arg17[%get3A_314, %get3A_315] {strides = array<i32>} : memref<80x128xf32, #tpu.memory_space<vmem>>, vector<1x16xf32>,
        %get3A_317 = vector.shape_cast %get3A_316 : vector<1x16xf32> to vector<16xf32>
        %get3A_318 = arith.index_cast %scan3A_217 : i32 to index
        %get3A_319 = arith.constant 112 : index
        %get3A_320 = tpu.vector_load %arg21[%get3A_318, %get3A_319] {strides = array<i32>} : memref<80x128xf32, #tpu.memory_space<vmem>>, vector<1x16xf32>,
        %get3A_321 = vector.shape_cast %get3A_320 : vector<1x16xf32> to vector<16xf32>
        %add3A_322 = arith.addf %get3A_317, %get3A_321 : vector<16xf32>
        %swap3A_323 = arith.index_cast %scan3A_217 : i32 to index
        %swap3A_324 = arith.constant 112 : index
        %swap3A_325 = tpu.vector_load %arg23[%swap3A_323, %swap3A_324] {strides = array<i32>} : memref<80x128xf32, #tpu.memory_space<vmem>>, vector<1x16xf32>,
        %swap3A_326 = vector.shape_cast %swap3A_325 : vector<1x16xf32> to vector<16xf32>
        %swap3A_327 = vector.shape_cast %add3A_322 : vector<16xf32> to vector<1x16xf32>
        tpu.vector_store %arg23[%swap3A_323, %swap3A_324], %swap3A_327 {strides = array<i32>} : memref<80x128xf32, #tpu.memory_space<vmem>>, vector<1x16xf32>,
      }
      %scan3A_161 = arith.constant 80 : i32
      %lt3A_162 = arith.constant 15 : i32
      %lt3A_163 = arith.cmpi slt, %scan3A_48, %lt3A_162 : i32
      %convert_element_type3A_164 = arith.extui %lt3A_163 : i1 to i32
      %cond3A_165 = arith.constant 0 : i32
      %cond3A_166 = arith.cmpi ne, %convert_element_type3A_164, %cond3A_165 : i32
      scf.if %cond3A_166 {
        %add3A_217 = arith.constant 3 : i32
        %add3A_218 = arith.addi %add3A_135, %add3A_217 : i32
        %mul3A_219 = arith.constant 80 : i32
        %mul3A_220 = arith.muli %add3A_218, %mul3A_219 : i32
        %dma_start3A_221 = tpu.memref_slice %arg13[%mul3A_220] : memref<5120xi32, #tpu.memory_space<vmem>> -> memref<80xi32, #tpu.memory_space<vmem>>
        %dma_start3A_222 = arith.constant 0 : i32
        %dma_start3A_223 = arith.constant 0 : i32
        %dma_start3A_224 = tpu.memref_slice %arg3[%dma_start3A_222, %dma_start3A_223] : memref<10000x128xf32, #tpu.memory_space<hbm>> -> memref<10000x128xf32, #tpu.memory_space<hbm>>
        tpu.enqueue_indirect_dma source(%dma_start3A_224 : memref<10000x128xf32, #tpu.memory_space<hbm>>) target(%arg16 : memref<80x128xf32, #tpu.memory_space<vmem>>) offsets(%dma_start3A_221 : memref<80xi32, #tpu.memory_space<vmem>>) semaphore(%arg26 : memref<!tpu.dma_semaphore, #tpu.memory_space<semaphore_mem>>)
        %mul3A_225 = arith.constant 80 : i32
        %mul3A_226 = arith.muli %add3A_218, %mul3A_225 : i32
        %dma_start3A_227 = tpu.memref_slice %arg14[%mul3A_226] : memref<5120xi32, #tpu.memory_space<vmem>> -> memref<80xi32, #tpu.memory_space<vmem>>
        %dma_start3A_228 = arith.constant 0 : i32
        %dma_start3A_229 = arith.constant 0 : i32
        %dma_start3A_230 = tpu.memref_slice %arg7[%dma_start3A_228, %dma_start3A_229] : memref<10000x128xf32, #tpu.memory_space<hbm>> -> memref<10000x128xf32, #tpu.memory_space<hbm>>
        tpu.enqueue_indirect_dma source(%dma_start3A_230 : memref<10000x128xf32, #tpu.memory_space<hbm>>) target(%arg20 : memref<80x128xf32, #tpu.memory_space<vmem>>) offsets(%dma_start3A_227 : memref<80xi32, #tpu.memory_space<vmem>>) semaphore(%arg30 : memref<!tpu.dma_semaphore, #tpu.memory_space<semaphore_mem>>)
      } else {
      }
      %mul3A_167 = arith.constant 80 : i32
      %mul3A_168 = arith.muli %add3A_135, %mul3A_167 : i32
      %add3A_169 = arith.addi %mul3A_2, %mul3A_168 : i32
      %dma_start3A_170 = arith.constant 0 : i32
      %dma_start3A_171 = tpu.memref_slice %arg12[%add3A_169, %dma_start3A_170] : memref<163840x128xf32, #tpu.memory_space<hbm>> -> memref<80x128xf32, #tpu.memory_space<hbm>>
      %dma_start3A_172 = arith.constant 0 : i32
      %dma_start3A_173 = tpu.memref_slice %arg12[%add3A_169, %dma_start3A_172] : memref<163840x128xf32, #tpu.memory_space<hbm>> -> memref<80x128xf32, #tpu.memory_space<hbm>>
      tpu.enqueue_dma source(%arg23 : memref<80x128xf32, #tpu.memory_space<vmem>>) target(%dma_start3A_173 : memref<80x128xf32, #tpu.memory_space<hbm>>) target_semaphore(%arg33 : memref<!tpu.dma_semaphore, #tpu.memory_space<semaphore_mem>>)
      %mul3A_174 = arith.constant 4 : i32
      %mul3A_175 = arith.muli %mul3A_174, %scan3A_48 : i32
      %add3A_176 = arith.constant 3 : i32
      %add3A_177 = arith.addi %mul3A_175, %add3A_176 : i32
      %mul3A_178 = arith.constant 80 : i32
      %mul3A_179 = arith.muli %add3A_177, %mul3A_178 : i32
      %dma_wait3A_180 = tpu.memref_slice %arg13[%mul3A_179] : memref<5120xi32, #tpu.memory_space<vmem>> -> memref<80xi32, #tpu.memory_space<vmem>>
      %dma_wait3A_181 = arith.constant 0 : i32
      %dma_wait3A_182 = arith.constant 0 : i32
      %dma_wait3A_183 = tpu.memref_slice %arg5[%dma_wait3A_181, %dma_wait3A_182] : memref<10000x128xf32, #tpu.memory_space<hbm>> -> memref<10000x128xf32, #tpu.memory_space<hbm>>
      tpu.wait_indirect_dma semaphore(%arg28 : memref<!tpu.dma_semaphore, #tpu.memory_space<semaphore_mem>>) src(%dma_wait3A_183 : memref<10000x128xf32, #tpu.memory_space<hbm>>) dst(%arg18 : memref<80x128xf32, #tpu.memory_space<vmem>>)
      %mul3A_184 = arith.constant 80 : i32
      %mul3A_185 = arith.muli %add3A_177, %mul3A_184 : i32
      %dma_wait3A_186 = tpu.memref_slice %arg14[%mul3A_185] : memref<5120xi32, #tpu.memory_space<vmem>> -> memref<80xi32, #tpu.memory_space<vmem>>
      %dma_wait3A_187 = arith.constant 0 : i32
      %dma_wait3A_188 = arith.constant 0 : i32
      %dma_wait3A_189 = tpu.memref_slice %arg9[%dma_wait3A_187, %dma_wait3A_188] : memref<10000x128xf32, #tpu.memory_space<hbm>> -> memref<10000x128xf32, #tpu.memory_space<hbm>>
      tpu.wait_indirect_dma semaphore(%arg32 : memref<!tpu.dma_semaphore, #tpu.memory_space<semaphore_mem>>) src(%dma_wait3A_189 : memref<10000x128xf32, #tpu.memory_space<hbm>>) dst(%arg22 : memref<80x128xf32, #tpu.memory_space<vmem>>)
      %sub3A_190 = arith.constant 2 : i32
      %sub3A_191 = arith.subi %add3A_177, %sub3A_190 : i32
      %mul3A_192 = arith.constant 80 : i32
      %mul3A_193 = arith.muli %sub3A_191, %mul3A_192 : i32
      %add3A_194 = arith.addi %mul3A_2, %mul3A_193 : i32
      %dma_wait3A_195 = arith.constant 0 : i32
      %dma_wait3A_196 = tpu.memref_slice %arg12[%add3A_194, %dma_wait3A_195] : memref<163840x128xf32, #tpu.memory_space<hbm>> -> memref<80x128xf32, #tpu.memory_space<hbm>>
      %dma_wait3A_197 = arith.constant 0 : i32
      %dma_wait3A_198 = tpu.memref_slice %arg12[%add3A_194, %dma_wait3A_197] : memref<163840x128xf32, #tpu.memory_space<hbm>> -> memref<80x128xf32, #tpu.memory_space<hbm>>
      tpu.wait_dma2 semaphore(%arg34 : memref<!tpu.dma_semaphore, #tpu.memory_space<semaphore_mem>>) src(%arg24 : memref<80x128xf32, #tpu.memory_space<vmem>>) dst(%dma_wait3A_198 : memref<80x128xf32, #tpu.memory_space<hbm>>)
      %scan3A_199 = arith.constant 0 : i32
      %scan3A_200 = arith.constant 0 : i32
      %scan3A_201 = arith.constant 80 : i32
      %scan3A_202 = arith.addi %scan3A_200, %scan3A_201 : i32
      %scan3A_203 = arith.constant 1 : i32
      scf.for %scan3A_217 = %scan3A_200 to %scan3A_202 step %scan3A_203  : i32 {
        %get3A = arith.index_cast %scan3A_217 : i32 to index
        %get3A_218 = arith.constant 0 : index
        %get3A_219 = tpu.vector_load %arg18[%get3A, %get3A_218] {strides = array<i32>} : memref<80x128xf32, #tpu.memory_space<vmem>>, vector<1x16xf32>,
        %get3A_220 = vector.shape_cast %get3A_219 : vector<1x16xf32> to vector<16xf32>
        %get3A_221 = arith.index_cast %scan3A_217 : i32 to index
        %get3A_222 = arith.constant 0 : index
        %get3A_223 = tpu.vector_load %arg22[%get3A_221, %get3A_222] {strides = array<i32>} : memref<80x128xf32, #tpu.memory_space<vmem>>, vector<1x16xf32>,
        %get3A_224 = vector.shape_cast %get3A_223 : vector<1x16xf32> to vector<16xf32>
        %add3A_225 = arith.addf %get3A_220, %get3A_224 : vector<16xf32>
        %swap3A = arith.index_cast %scan3A_217 : i32 to index
        %swap3A_226 = arith.constant 0 : index
        %swap3A_227 = tpu.vector_load %arg24[%swap3A, %swap3A_226] {strides = array<i32>} : memref<80x128xf32, #tpu.memory_space<vmem>>, vector<1x16xf32>,
        %swap3A_228 = vector.shape_cast %swap3A_227 : vector<1x16xf32> to vector<16xf32>
        %swap3A_229 = vector.shape_cast %add3A_225 : vector<16xf32> to vector<1x16xf32>
        tpu.vector_store %arg24[%swap3A, %swap3A_226], %swap3A_229 {strides = array<i32>} : memref<80x128xf32, #tpu.memory_space<vmem>>, vector<1x16xf32>,
        %get3A_230 = arith.index_cast %scan3A_217 : i32 to index
        %get3A_231 = arith.constant 16 : index
        %get3A_232 = tpu.vector_load %arg18[%get3A_230, %get3A_231] {strides = array<i32>} : memref<80x128xf32, #tpu.memory_space<vmem>>, vector<1x16xf32>,
        %get3A_233 = vector.shape_cast %get3A_232 : vector<1x16xf32> to vector<16xf32>
        %get3A_234 = arith.index_cast %scan3A_217 : i32 to index
        %get3A_235 = arith.constant 16 : index
        %get3A_236 = tpu.vector_load %arg22[%get3A_234, %get3A_235] {strides = array<i32>} : memref<80x128xf32, #tpu.memory_space<vmem>>, vector<1x16xf32>,
        %get3A_237 = vector.shape_cast %get3A_236 : vector<1x16xf32> to vector<16xf32>
        %add3A_238 = arith.addf %get3A_233, %get3A_237 : vector<16xf32>
        %swap3A_239 = arith.index_cast %scan3A_217 : i32 to index
        %swap3A_240 = arith.constant 16 : index
        %swap3A_241 = tpu.vector_load %arg24[%swap3A_239, %swap3A_240] {strides = array<i32>} : memref<80x128xf32, #tpu.memory_space<vmem>>, vector<1x16xf32>,
        %swap3A_242 = vector.shape_cast %swap3A_241 : vector<1x16xf32> to vector<16xf32>
        %swap3A_243 = vector.shape_cast %add3A_238 : vector<16xf32> to vector<1x16xf32>
        tpu.vector_store %arg24[%swap3A_239, %swap3A_240], %swap3A_243 {strides = array<i32>} : memref<80x128xf32, #tpu.memory_space<vmem>>, vector<1x16xf32>,
        %get3A_244 = arith.index_cast %scan3A_217 : i32 to index
        %get3A_245 = arith.constant 32 : index
        %get3A_246 = tpu.vector_load %arg18[%get3A_244, %get3A_245] {strides = array<i32>} : memref<80x128xf32, #tpu.memory_space<vmem>>, vector<1x16xf32>,
        %get3A_247 = vector.shape_cast %get3A_246 : vector<1x16xf32> to vector<16xf32>
        %get3A_248 = arith.index_cast %scan3A_217 : i32 to index
        %get3A_249 = arith.constant 32 : index
        %get3A_250 = tpu.vector_load %arg22[%get3A_248, %get3A_249] {strides = array<i32>} : memref<80x128xf32, #tpu.memory_space<vmem>>, vector<1x16xf32>,
        %get3A_251 = vector.shape_cast %get3A_250 : vector<1x16xf32> to vector<16xf32>
        %add3A_252 = arith.addf %get3A_247, %get3A_251 : vector<16xf32>
        %swap3A_253 = arith.index_cast %scan3A_217 : i32 to index
        %swap3A_254 = arith.constant 32 : index
        %swap3A_255 = tpu.vector_load %arg24[%swap3A_253, %swap3A_254] {strides = array<i32>} : memref<80x128xf32, #tpu.memory_space<vmem>>, vector<1x16xf32>,
        %swap3A_256 = vector.shape_cast %swap3A_255 : vector<1x16xf32> to vector<16xf32>
        %swap3A_257 = vector.shape_cast %add3A_252 : vector<16xf32> to vector<1x16xf32>
        tpu.vector_store %arg24[%swap3A_253, %swap3A_254], %swap3A_257 {strides = array<i32>} : memref<80x128xf32, #tpu.memory_space<vmem>>, vector<1x16xf32>,
        %get3A_258 = arith.index_cast %scan3A_217 : i32 to index
        %get3A_259 = arith.constant 48 : index
        %get3A_260 = tpu.vector_load %arg18[%get3A_258, %get3A_259] {strides = array<i32>} : memref<80x128xf32, #tpu.memory_space<vmem>>, vector<1x16xf32>,
        %get3A_261 = vector.shape_cast %get3A_260 : vector<1x16xf32> to vector<16xf32>
        %get3A_262 = arith.index_cast %scan3A_217 : i32 to index
        %get3A_263 = arith.constant 48 : index
        %get3A_264 = tpu.vector_load %arg22[%get3A_262, %get3A_263] {strides = array<i32>} : memref<80x128xf32, #tpu.memory_space<vmem>>, vector<1x16xf32>,
        %get3A_265 = vector.shape_cast %get3A_264 : vector<1x16xf32> to vector<16xf32>
        %add3A_266 = arith.addf %get3A_261, %get3A_265 : vector<16xf32>
        %swap3A_267 = arith.index_cast %scan3A_217 : i32 to index
        %swap3A_268 = arith.constant 48 : index
        %swap3A_269 = tpu.vector_load %arg24[%swap3A_267, %swap3A_268] {strides = array<i32>} : memref<80x128xf32, #tpu.memory_space<vmem>>, vector<1x16xf32>,
        %swap3A_270 = vector.shape_cast %swap3A_269 : vector<1x16xf32> to vector<16xf32>
        %swap3A_271 = vector.shape_cast %add3A_266 : vector<16xf32> to vector<1x16xf32>
        tpu.vector_store %arg24[%swap3A_267, %swap3A_268], %swap3A_271 {strides = array<i32>} : memref<80x128xf32, #tpu.memory_space<vmem>>, vector<1x16xf32>,
        %get3A_272 = arith.index_cast %scan3A_217 : i32 to index
        %get3A_273 = arith.constant 64 : index
        %get3A_274 = tpu.vector_load %arg18[%get3A_272, %get3A_273] {strides = array<i32>} : memref<80x128xf32, #tpu.memory_space<vmem>>, vector<1x16xf32>,
        %get3A_275 = vector.shape_cast %get3A_274 : vector<1x16xf32> to vector<16xf32>
        %get3A_276 = arith.index_cast %scan3A_217 : i32 to index
        %get3A_277 = arith.constant 64 : index
        %get3A_278 = tpu.vector_load %arg22[%get3A_276, %get3A_277] {strides = array<i32>} : memref<80x128xf32, #tpu.memory_space<vmem>>, vector<1x16xf32>,
        %get3A_279 = vector.shape_cast %get3A_278 : vector<1x16xf32> to vector<16xf32>
        %add3A_280 = arith.addf %get3A_275, %get3A_279 : vector<16xf32>
        %swap3A_281 = arith.index_cast %scan3A_217 : i32 to index
        %swap3A_282 = arith.constant 64 : index
        %swap3A_283 = tpu.vector_load %arg24[%swap3A_281, %swap3A_282] {strides = array<i32>} : memref<80x128xf32, #tpu.memory_space<vmem>>, vector<1x16xf32>,
        %swap3A_284 = vector.shape_cast %swap3A_283 : vector<1x16xf32> to vector<16xf32>
        %swap3A_285 = vector.shape_cast %add3A_280 : vector<16xf32> to vector<1x16xf32>
        tpu.vector_store %arg24[%swap3A_281, %swap3A_282], %swap3A_285 {strides = array<i32>} : memref<80x128xf32, #tpu.memory_space<vmem>>, vector<1x16xf32>,
        %get3A_286 = arith.index_cast %scan3A_217 : i32 to index
        %get3A_287 = arith.constant 80 : index
        %get3A_288 = tpu.vector_load %arg18[%get3A_286, %get3A_287] {strides = array<i32>} : memref<80x128xf32, #tpu.memory_space<vmem>>, vector<1x16xf32>,
        %get3A_289 = vector.shape_cast %get3A_288 : vector<1x16xf32> to vector<16xf32>
        %get3A_290 = arith.index_cast %scan3A_217 : i32 to index
        %get3A_291 = arith.constant 80 : index
        %get3A_292 = tpu.vector_load %arg22[%get3A_290, %get3A_291] {strides = array<i32>} : memref<80x128xf32, #tpu.memory_space<vmem>>, vector<1x16xf32>,
        %get3A_293 = vector.shape_cast %get3A_292 : vector<1x16xf32> to vector<16xf32>
        %add3A_294 = arith.addf %get3A_289, %get3A_293 : vector<16xf32>
        %swap3A_295 = arith.index_cast %scan3A_217 : i32 to index
        %swap3A_296 = arith.constant 80 : index
        %swap3A_297 = tpu.vector_load %arg24[%swap3A_295, %swap3A_296] {strides = array<i32>} : memref<80x128xf32, #tpu.memory_space<vmem>>, vector<1x16xf32>,
        %swap3A_298 = vector.shape_cast %swap3A_297 : vector<1x16xf32> to vector<16xf32>
        %swap3A_299 = vector.shape_cast %add3A_294 : vector<16xf32> to vector<1x16xf32>
        tpu.vector_store %arg24[%swap3A_295, %swap3A_296], %swap3A_299 {strides = array<i32>} : memref<80x128xf32, #tpu.memory_space<vmem>>, vector<1x16xf32>,
        %get3A_300 = arith.index_cast %scan3A_217 : i32 to index
        %get3A_301 = arith.constant 96 : index
        %get3A_302 = tpu.vector_load %arg18[%get3A_300, %get3A_301] {strides = array<i32>} : memref<80x128xf32, #tpu.memory_space<vmem>>, vector<1x16xf32>,
        %get3A_303 = vector.shape_cast %get3A_302 : vector<1x16xf32> to vector<16xf32>
        %get3A_304 = arith.index_cast %scan3A_217 : i32 to index
        %get3A_305 = arith.constant 96 : index
        %get3A_306 = tpu.vector_load %arg22[%get3A_304, %get3A_305] {strides = array<i32>} : memref<80x128xf32, #tpu.memory_space<vmem>>, vector<1x16xf32>,
        %get3A_307 = vector.shape_cast %get3A_306 : vector<1x16xf32> to vector<16xf32>
        %add3A_308 = arith.addf %get3A_303, %get3A_307 : vector<16xf32>
        %swap3A_309 = arith.index_cast %scan3A_217 : i32 to index
        %swap3A_310 = arith.constant 96 : index
        %swap3A_311 = tpu.vector_load %arg24[%swap3A_309, %swap3A_310] {strides = array<i32>} : memref<80x128xf32, #tpu.memory_space<vmem>>, vector<1x16xf32>,
        %swap3A_312 = vector.shape_cast %swap3A_311 : vector<1x16xf32> to vector<16xf32>
        %swap3A_313 = vector.shape_cast %add3A_308 : vector<16xf32> to vector<1x16xf32>
        tpu.vector_store %arg24[%swap3A_309, %swap3A_310], %swap3A_313 {strides = array<i32>} : memref<80x128xf32, #tpu.memory_space<vmem>>, vector<1x16xf32>,
        %get3A_314 = arith.index_cast %scan3A_217 : i32 to index
        %get3A_315 = arith.constant 112 : index
        %get3A_316 = tpu.vector_load %arg18[%get3A_314, %get3A_315] {strides = array<i32>} : memref<80x128xf32, #tpu.memory_space<vmem>>, vector<1x16xf32>,
        %get3A_317 = vector.shape_cast %get3A_316 : vector<1x16xf32> to vector<16xf32>
        %get3A_318 = arith.index_cast %scan3A_217 : i32 to index
        %get3A_319 = arith.constant 112 : index
        %get3A_320 = tpu.vector_load %arg22[%get3A_318, %get3A_319] {strides = array<i32>} : memref<80x128xf32, #tpu.memory_space<vmem>>, vector<1x16xf32>,
        %get3A_321 = vector.shape_cast %get3A_320 : vector<1x16xf32> to vector<16xf32>
        %add3A_322 = arith.addf %get3A_317, %get3A_321 : vector<16xf32>
        %swap3A_323 = arith.index_cast %scan3A_217 : i32 to index
        %swap3A_324 = arith.constant 112 : index
        %swap3A_325 = tpu.vector_load %arg24[%swap3A_323, %swap3A_324] {strides = array<i32>} : memref<80x128xf32, #tpu.memory_space<vmem>>, vector<1x16xf32>,
        %swap3A_326 = vector.shape_cast %swap3A_325 : vector<1x16xf32> to vector<16xf32>
        %swap3A_327 = vector.shape_cast %add3A_322 : vector<16xf32> to vector<1x16xf32>
        tpu.vector_store %arg24[%swap3A_323, %swap3A_324], %swap3A_327 {strides = array<i32>} : memref<80x128xf32, #tpu.memory_space<vmem>>, vector<1x16xf32>,
      }
      %scan3A_204 = arith.constant 80 : i32
      %lt3A_205 = arith.constant 15 : i32
      %lt3A_206 = arith.cmpi slt, %scan3A_48, %lt3A_205 : i32
      %convert_element_type3A_207 = arith.extui %lt3A_206 : i1 to i32
      %cond3A_208 = arith.constant 0 : i32
      %cond3A_209 = arith.cmpi ne, %convert_element_type3A_207, %cond3A_208 : i32
      scf.if %cond3A_209 {
        %add3A_217 = arith.constant 3 : i32
        %add3A_218 = arith.addi %add3A_177, %add3A_217 : i32
        %mul3A_219 = arith.constant 80 : i32
        %mul3A_220 = arith.muli %add3A_218, %mul3A_219 : i32
        %dma_start3A_221 = tpu.memref_slice %arg13[%mul3A_220] : memref<5120xi32, #tpu.memory_space<vmem>> -> memref<80xi32, #tpu.memory_space<vmem>>
        %dma_start3A_222 = arith.constant 0 : i32
        %dma_start3A_223 = arith.constant 0 : i32
        %dma_start3A_224 = tpu.memref_slice %arg4[%dma_start3A_222, %dma_start3A_223] : memref<10000x128xf32, #tpu.memory_space<hbm>> -> memref<10000x128xf32, #tpu.memory_space<hbm>>
        tpu.enqueue_indirect_dma source(%dma_start3A_224 : memref<10000x128xf32, #tpu.memory_space<hbm>>) target(%arg17 : memref<80x128xf32, #tpu.memory_space<vmem>>) offsets(%dma_start3A_221 : memref<80xi32, #tpu.memory_space<vmem>>) semaphore(%arg27 : memref<!tpu.dma_semaphore, #tpu.memory_space<semaphore_mem>>)
        %mul3A_225 = arith.constant 80 : i32
        %mul3A_226 = arith.muli %add3A_218, %mul3A_225 : i32
        %dma_start3A_227 = tpu.memref_slice %arg14[%mul3A_226] : memref<5120xi32, #tpu.memory_space<vmem>> -> memref<80xi32, #tpu.memory_space<vmem>>
        %dma_start3A_228 = arith.constant 0 : i32
        %dma_start3A_229 = arith.constant 0 : i32
        %dma_start3A_230 = tpu.memref_slice %arg8[%dma_start3A_228, %dma_start3A_229] : memref<10000x128xf32, #tpu.memory_space<hbm>> -> memref<10000x128xf32, #tpu.memory_space<hbm>>
        tpu.enqueue_indirect_dma source(%dma_start3A_230 : memref<10000x128xf32, #tpu.memory_space<hbm>>) target(%arg21 : memref<80x128xf32, #tpu.memory_space<vmem>>) offsets(%dma_start3A_227 : memref<80xi32, #tpu.memory_space<vmem>>) semaphore(%arg31 : memref<!tpu.dma_semaphore, #tpu.memory_space<semaphore_mem>>)
      } else {
      }
      %mul3A_210 = arith.constant 80 : i32
      %mul3A_211 = arith.muli %add3A_177, %mul3A_210 : i32
      %add3A_212 = arith.addi %mul3A_2, %mul3A_211 : i32
      %dma_start3A_213 = arith.constant 0 : i32
      %dma_start3A_214 = tpu.memref_slice %arg12[%add3A_212, %dma_start3A_213] : memref<163840x128xf32, #tpu.memory_space<hbm>> -> memref<80x128xf32, #tpu.memory_space<hbm>>
      %dma_start3A_215 = arith.constant 0 : i32
      %dma_start3A_216 = tpu.memref_slice %arg12[%add3A_212, %dma_start3A_215] : memref<163840x128xf32, #tpu.memory_space<hbm>> -> memref<80x128xf32, #tpu.memory_space<hbm>>
      tpu.enqueue_dma source(%arg24 : memref<80x128xf32, #tpu.memory_space<vmem>>) target(%dma_start3A_216 : memref<80x128xf32, #tpu.memory_space<hbm>>) target_semaphore(%arg34 : memref<!tpu.dma_semaphore, #tpu.memory_space<semaphore_mem>>)
    }
    %scan3A_36 = arith.constant 16 : i32
    %add3A_37 = arith.constant 4960 : i32
    %add3A_38 = arith.addi %mul3A_2, %add3A_37 : i32
    %dma_wait3A = arith.constant 0 : i32
    %dma_wait3A_39 = tpu.memref_slice %arg12[%add3A_38, %dma_wait3A] : memref<163840x128xf32, #tpu.memory_space<hbm>> -> memref<80x128xf32, #tpu.memory_space<hbm>>
    %dma_wait3A_40 = arith.constant 0 : i32
    %dma_wait3A_41 = tpu.memref_slice %arg12[%add3A_38, %dma_wait3A_40] : memref<163840x128xf32, #tpu.memory_space<hbm>> -> memref<80x128xf32, #tpu.memory_space<hbm>>
    tpu.wait_dma2 semaphore(%arg33 : memref<!tpu.dma_semaphore, #tpu.memory_space<semaphore_mem>>) src(%arg23 : memref<80x128xf32, #tpu.memory_space<vmem>>) dst(%dma_wait3A_41 : memref<80x128xf32, #tpu.memory_space<hbm>>)
    %add3A_42 = arith.constant 5040 : i32
    %add3A_43 = arith.addi %mul3A_2, %add3A_42 : i32
    %dma_wait3A_44 = arith.constant 0 : i32
    %dma_wait3A_45 = tpu.memref_slice %arg12[%add3A_43, %dma_wait3A_44] : memref<163840x128xf32, #tpu.memory_space<hbm>> -> memref<80x128xf32, #tpu.memory_space<hbm>>
    %dma_wait3A_46 = arith.constant 0 : i32
    %dma_wait3A_47 = tpu.memref_slice %arg12[%add3A_43, %dma_wait3A_46] : memref<163840x128xf32, #tpu.memory_space<hbm>> -> memref<80x128xf32, #tpu.memory_space<hbm>>
    tpu.wait_dma2 semaphore(%arg34 : memref<!tpu.dma_semaphore, #tpu.memory_space<semaphore_mem>>) src(%arg24 : memref<80x128xf32, #tpu.memory_space<vmem>>) dst(%dma_wait3A_47 : memref<80x128xf32, #tpu.memory_space<hbm>>)
    return
  }
}

module attributes {stable_mosaic.version = 14 : i64} {
  func.func @_node_encoder_body(%arg0: i32, %arg1: memref<1000x8xf32, #tpu.memory_space<vmem>>, %arg2: memref<1000x128xf32, #tpu.memory_space<vmem>>, %arg3: memref<1000x128xf32, #tpu.memory_space<vmem>>, %arg4: memref<1000x256xf32, #tpu.memory_space<vmem>>, %arg5: memref<1000x256xf32, #tpu.memory_space<vmem>>, %arg6: memref<8x512xf32, #tpu.memory_space<vmem>>, %arg7: memref<128x512xf32, #tpu.memory_space<vmem>>, %arg8: memref<1x512xf32, #tpu.memory_space<vmem>>, %arg9: memref<128x1024xf32, #tpu.memory_space<vmem>>, %arg10: memref<256x1024xf32, #tpu.memory_space<vmem>>, %arg11: memref<1x1024xf32, #tpu.memory_space<vmem>>, %arg12: memref<256x128xf32, #tpu.memory_space<vmem>>, %arg13: memref<256x128xf32, #tpu.memory_space<vmem>>, %arg14: memref<1x128xf32, #tpu.memory_space<vmem>>, %arg15: memref<1x128xf32, #tpu.memory_space<vmem>>, %arg16: memref<128x64xf32, #tpu.memory_space<vmem>>, %arg17: memref<1x64xf32, #tpu.memory_space<vmem>>, %arg18: memref<64x64xf32, #tpu.memory_space<vmem>>, %arg19: memref<1x64xf32, #tpu.memory_space<vmem>>, %arg20: memref<64x128xf32, #tpu.memory_space<vmem>>, %arg21: memref<64x128xf32, #tpu.memory_space<vmem>>, %arg22: memref<1000x128xf32, #tpu.memory_space<vmem>>, %arg23: memref<1000x128xf32, #tpu.memory_space<vmem>>, %arg24: memref<1000x128xf32, #tpu.memory_space<vmem>>, %arg25: memref<1000x128xf32, #tpu.memory_space<vmem>>, %arg26: memref<1000x128xf32, #tpu.memory_space<vmem>>, %arg27: memref<1000x128xf32, #tpu.memory_space<vmem>>, %arg28: memref<1000x128xf32, #tpu.memory_space<vmem>>, %arg29: memref<1000x128xf32, #tpu.memory_space<vmem>>) attributes {dimension_semantics = [#tpu.dimension_semantics<arbitrary>], iteration_bounds = array<i64: 10>, scalar_prefetch = 0 : i64, scratch_operands = 0 : i64, tpu.core_type = #tpu.core_type<tc>, window_params = [{transform_indices = @transform_0, window_bounds = array<i64: 1000, 8>}, {transform_indices = @transform_1, window_bounds = array<i64: 1000, 128>}, {transform_indices = @transform_2, window_bounds = array<i64: 1000, 128>}, {transform_indices = @transform_3, window_bounds = array<i64: 1000, 256>}, {transform_indices = @transform_4, window_bounds = array<i64: 1000, 256>}, {pipeline_mode = #tpu.pipeline_mode<synchronous>, transform_indices = @transform_5, window_bounds = array<i64: 8, 512>}, {pipeline_mode = #tpu.pipeline_mode<synchronous>, transform_indices = @transform_6, window_bounds = array<i64: 128, 512>}, {pipeline_mode = #tpu.pipeline_mode<synchronous>, transform_indices = @transform_7, window_bounds = array<i64: 1, 512>}, {pipeline_mode = #tpu.pipeline_mode<synchronous>, transform_indices = @transform_8, window_bounds = array<i64: 128, 1024>}, {pipeline_mode = #tpu.pipeline_mode<synchronous>, transform_indices = @transform_9, window_bounds = array<i64: 256, 1024>}, {pipeline_mode = #tpu.pipeline_mode<synchronous>, transform_indices = @transform_10, window_bounds = array<i64: 1, 1024>}, {pipeline_mode = #tpu.pipeline_mode<synchronous>, transform_indices = @transform_11, window_bounds = array<i64: 256, 128>}, {pipeline_mode = #tpu.pipeline_mode<synchronous>, transform_indices = @transform_12, window_bounds = array<i64: 256, 128>}, {pipeline_mode = #tpu.pipeline_mode<synchronous>, transform_indices = @transform_13, window_bounds = array<i64: 1, 128>}, {pipeline_mode = #tpu.pipeline_mode<synchronous>, transform_indices = @transform_14, window_bounds = array<i64: 1, 128>}, {pipeline_mode = #tpu.pipeline_mode<synchronous>, transform_indices = @transform_15, window_bounds = array<i64: 128, 64>}, {pipeline_mode = #tpu.pipeline_mode<synchronous>, transform_indices = @transform_16, window_bounds = array<i64: 1, 64>}, {pipeline_mode = #tpu.pipeline_mode<synchronous>, transform_indices = @transform_17, window_bounds = array<i64: 64, 64>}, {pipeline_mode = #tpu.pipeline_mode<synchronous>, transform_indices = @transform_18, window_bounds = array<i64: 1, 64>}, {pipeline_mode = #tpu.pipeline_mode<synchronous>, transform_indices = @transform_19, window_bounds = array<i64: 64, 128>}, {pipeline_mode = #tpu.pipeline_mode<synchronous>, transform_indices = @transform_20, window_bounds = array<i64: 64, 128>}, {transform_indices = @transform_21, window_bounds = array<i64: 1000, 128>}, {transform_indices = @transform_22, window_bounds = array<i64: 1000, 128>}, {transform_indices = @transform_23, window_bounds = array<i64: 1000, 128>}, {transform_indices = @transform_24, window_bounds = array<i64: 1000, 128>}, {transform_indices = @transform_25, window_bounds = array<i64: 1000, 128>}, {transform_indices = @transform_26, window_bounds = array<i64: 1000, 128>}, {transform_indices = @transform_27, window_bounds = array<i64: 1000, 128>}, {transform_indices = @transform_28, window_bounds = array<i64: 1000, 128>}]} {
    %get3A = arith.constant 0 : index
    %get3A_0 = arith.constant 0 : index
    %get3A_1 = vector.load %arg1[%get3A, %get3A_0] : memref<1000x8xf32, #tpu.memory_space<vmem>>, vector<1000x8xf32>
    %get3A_2 = arith.constant 0 : index
    %get3A_3 = arith.constant 0 : index
    %get3A_4 = vector.load %arg6[%get3A_2, %get3A_3] : memref<8x512xf32, #tpu.memory_space<vmem>>, vector<8x512xf32>
    %dot_general3A = arith.constant dense<0.000000e+00> : vector<1000x512xf32>
    %dot_general3A_5 = tpu.matmul %get3A_1, %get3A_4, %dot_general3A {dimension_numbers = #tpu.dot_dimension_numbers<[1], [0], [0], [1], [0, 0, 1, 1], [], []>, transpose_lhs_hint = false} : vector<1000x8xf32>, vector<8x512xf32>, vector<1000x512xf32> -> vector<1000x512xf32>
    %get3A_6 = arith.constant 0 : index
    %get3A_7 = arith.constant 0 : index
    %get3A_8 = vector.load %arg2[%get3A_6, %get3A_7] : memref<1000x128xf32, #tpu.memory_space<vmem>>, vector<1000x128xf32>
    %get3A_9 = arith.constant 0 : index
    %get3A_10 = arith.constant 0 : index
    %get3A_11 = vector.load %arg7[%get3A_9, %get3A_10] : memref<128x512xf32, #tpu.memory_space<vmem>>, vector<128x512xf32>
    %dot_general3A_12 = arith.constant dense<0.000000e+00> : vector<1000x512xf32>
    %dot_general3A_13 = tpu.matmul %get3A_8, %get3A_11, %dot_general3A_12 {dimension_numbers = #tpu.dot_dimension_numbers<[1], [0], [0], [1], [0, 0, 1, 1], [], []>, transpose_lhs_hint = false} : vector<1000x128xf32>, vector<128x512xf32>, vector<1000x512xf32> -> vector<1000x512xf32>
    %add3A = arith.addf %dot_general3A_5, %dot_general3A_13 : vector<1000x512xf32>
    %get3A_14 = arith.constant 0 : index
    %get3A_15 = arith.constant 0 : index
    %get3A_16 = vector.load %arg8[%get3A_14, %get3A_15] : memref<1x512xf32, #tpu.memory_space<vmem>>, vector<1x512xf32>
    %add3A_17 = vector.broadcast %get3A_16 : vector<1x512xf32> to vector<1000x512xf32>
    %add3A_18 = arith.addf %add3A, %add3A_17 : vector<1000x512xf32>
    %slice3A = vector.extract_strided_slice %add3A_18 {offsets = [0, 0], sizes = [1000, 128], strides = [1, 1]} : vector<1000x512xf32> to vector<1000x128xf32>
    %logistic3A = arith.negf %slice3A : vector<1000x128xf32>
    %logistic3A_19 = math.exp %logistic3A : vector<1000x128xf32>
    %logistic3A_20 = arith.constant 1.000000e+00 : f32
    %logistic3A_21 = vector.broadcast %logistic3A_20 : f32 to vector<1000x128xf32>
    %logistic3A_22 = arith.addf %logistic3A_21, %logistic3A_19 : vector<1000x128xf32>
    %logistic3A_23 = arith.divf %logistic3A_21, %logistic3A_22 : vector<1000x128xf32>
    %slice3A_24 = vector.extract_strided_slice %add3A_18 {offsets = [0, 128], sizes = [1000, 128], strides = [1, 1]} : vector<1000x512xf32> to vector<1000x128xf32>
    %logistic3A_25 = arith.negf %slice3A_24 : vector<1000x128xf32>
    %logistic3A_26 = math.exp %logistic3A_25 : vector<1000x128xf32>
    %logistic3A_27 = arith.constant 1.000000e+00 : f32
    %logistic3A_28 = vector.broadcast %logistic3A_27 : f32 to vector<1000x128xf32>
    %logistic3A_29 = arith.addf %logistic3A_28, %logistic3A_26 : vector<1000x128xf32>
    %logistic3A_30 = arith.divf %logistic3A_28, %logistic3A_29 : vector<1000x128xf32>
    %slice3A_31 = vector.extract_strided_slice %add3A_18 {offsets = [0, 256], sizes = [1000, 128], strides = [1, 1]} : vector<1000x512xf32> to vector<1000x128xf32>
    %tanh3A = math.tanh %slice3A_31 : vector<1000x128xf32>
    %slice3A_32 = vector.extract_strided_slice %add3A_18 {offsets = [0, 384], sizes = [1000, 128], strides = [1, 1]} : vector<1000x512xf32> to vector<1000x128xf32>
    %logistic3A_33 = arith.negf %slice3A_32 : vector<1000x128xf32>
    %logistic3A_34 = math.exp %logistic3A_33 : vector<1000x128xf32>
    %logistic3A_35 = arith.constant 1.000000e+00 : f32
    %logistic3A_36 = vector.broadcast %logistic3A_35 : f32 to vector<1000x128xf32>
    %logistic3A_37 = arith.addf %logistic3A_36, %logistic3A_34 : vector<1000x128xf32>
    %logistic3A_38 = arith.divf %logistic3A_36, %logistic3A_37 : vector<1000x128xf32>
    %get3A_39 = arith.constant 0 : index
    %get3A_40 = arith.constant 0 : index
    %get3A_41 = vector.load %arg3[%get3A_39, %get3A_40] : memref<1000x128xf32, #tpu.memory_space<vmem>>, vector<1000x128xf32>
    %mul3A = arith.mulf %logistic3A_30, %get3A_41 : vector<1000x128xf32>
    %mul3A_42 = arith.mulf %logistic3A_23, %tanh3A : vector<1000x128xf32>
    %add3A_43 = arith.addf %mul3A, %mul3A_42 : vector<1000x128xf32>
    %tanh3A_44 = math.tanh %add3A_43 : vector<1000x128xf32>
    %mul3A_45 = arith.mulf %logistic3A_38, %tanh3A_44 : vector<1000x128xf32>
    %max3A = arith.constant 0.000000e+00 : f32
    %max3A_46 = vector.broadcast %max3A : f32 to vector<1000x128xf32>
    %max3A_47 = arith.maximumf %mul3A_45, %max3A_46 : vector<1000x128xf32>
    %get3A_48 = arith.constant 0 : index
    %get3A_49 = arith.constant 0 : index
    %get3A_50 = vector.load %arg9[%get3A_48, %get3A_49] : memref<128x1024xf32, #tpu.memory_space<vmem>>, vector<128x1024xf32>
    %dot_general3A_51 = arith.constant dense<0.000000e+00> : vector<1000x1024xf32>
    %dot_general3A_52 = tpu.matmul %max3A_47, %get3A_50, %dot_general3A_51 {dimension_numbers = #tpu.dot_dimension_numbers<[1], [0], [0], [1], [0, 0, 1, 1], [], []>, transpose_lhs_hint = false} : vector<1000x128xf32>, vector<128x1024xf32>, vector<1000x1024xf32> -> vector<1000x1024xf32>
    %get3A_53 = arith.constant 0 : index
    %get3A_54 = arith.constant 0 : index
    %get3A_55 = vector.load %arg4[%get3A_53, %get3A_54] : memref<1000x256xf32, #tpu.memory_space<vmem>>, vector<1000x256xf32>
    %get3A_56 = arith.constant 0 : index
    %get3A_57 = arith.constant 0 : index
    %get3A_58 = vector.load %arg10[%get3A_56, %get3A_57] : memref<256x1024xf32, #tpu.memory_space<vmem>>, vector<256x1024xf32>
    %dot_general3A_59 = arith.constant dense<0.000000e+00> : vector<1000x1024xf32>
    %dot_general3A_60 = tpu.matmul %get3A_55, %get3A_58, %dot_general3A_59 {dimension_numbers = #tpu.dot_dimension_numbers<[1], [0], [0], [1], [0, 0, 1, 1], [], []>, transpose_lhs_hint = false} : vector<1000x256xf32>, vector<256x1024xf32>, vector<1000x1024xf32> -> vector<1000x1024xf32>
    %add3A_61 = arith.addf %dot_general3A_52, %dot_general3A_60 : vector<1000x1024xf32>
    %get3A_62 = arith.constant 0 : index
    %get3A_63 = arith.constant 0 : index
    %get3A_64 = vector.load %arg11[%get3A_62, %get3A_63] : memref<1x1024xf32, #tpu.memory_space<vmem>>, vector<1x1024xf32>
    %add3A_65 = vector.broadcast %get3A_64 : vector<1x1024xf32> to vector<1000x1024xf32>
    %add3A_66 = arith.addf %add3A_61, %add3A_65 : vector<1000x1024xf32>
    %slice3A_67 = vector.extract_strided_slice %add3A_66 {offsets = [0, 0], sizes = [1000, 256], strides = [1, 1]} : vector<1000x1024xf32> to vector<1000x256xf32>
    %logistic3A_68 = arith.negf %slice3A_67 : vector<1000x256xf32>
    %logistic3A_69 = math.exp %logistic3A_68 : vector<1000x256xf32>
    %logistic3A_70 = arith.constant 1.000000e+00 : f32
    %logistic3A_71 = vector.broadcast %logistic3A_70 : f32 to vector<1000x256xf32>
    %logistic3A_72 = arith.addf %logistic3A_71, %logistic3A_69 : vector<1000x256xf32>
    %logistic3A_73 = arith.divf %logistic3A_71, %logistic3A_72 : vector<1000x256xf32>
    %slice3A_74 = vector.extract_strided_slice %add3A_66 {offsets = [0, 256], sizes = [1000, 256], strides = [1, 1]} : vector<1000x1024xf32> to vector<1000x256xf32>
    %logistic3A_75 = arith.negf %slice3A_74 : vector<1000x256xf32>
    %logistic3A_76 = math.exp %logistic3A_75 : vector<1000x256xf32>
    %logistic3A_77 = arith.constant 1.000000e+00 : f32
    %logistic3A_78 = vector.broadcast %logistic3A_77 : f32 to vector<1000x256xf32>
    %logistic3A_79 = arith.addf %logistic3A_78, %logistic3A_76 : vector<1000x256xf32>
    %logistic3A_80 = arith.divf %logistic3A_78, %logistic3A_79 : vector<1000x256xf32>
    %slice3A_81 = vector.extract_strided_slice %add3A_66 {offsets = [0, 512], sizes = [1000, 256], strides = [1, 1]} : vector<1000x1024xf32> to vector<1000x256xf32>
    %tanh3A_82 = math.tanh %slice3A_81 : vector<1000x256xf32>
    %slice3A_83 = vector.extract_strided_slice %add3A_66 {offsets = [0, 768], sizes = [1000, 256], strides = [1, 1]} : vector<1000x1024xf32> to vector<1000x256xf32>
    %logistic3A_84 = arith.negf %slice3A_83 : vector<1000x256xf32>
    %logistic3A_85 = math.exp %logistic3A_84 : vector<1000x256xf32>
    %logistic3A_86 = arith.constant 1.000000e+00 : f32
    %logistic3A_87 = vector.broadcast %logistic3A_86 : f32 to vector<1000x256xf32>
    %logistic3A_88 = arith.addf %logistic3A_87, %logistic3A_85 : vector<1000x256xf32>
    %logistic3A_89 = arith.divf %logistic3A_87, %logistic3A_88 : vector<1000x256xf32>
    %get3A_90 = arith.constant 0 : index
    %get3A_91 = arith.constant 0 : index
    %get3A_92 = vector.load %arg5[%get3A_90, %get3A_91] : memref<1000x256xf32, #tpu.memory_space<vmem>>, vector<1000x256xf32>
    %mul3A_93 = arith.mulf %logistic3A_80, %get3A_92 : vector<1000x256xf32>
    %mul3A_94 = arith.mulf %logistic3A_73, %tanh3A_82 : vector<1000x256xf32>
    %add3A_95 = arith.addf %mul3A_93, %mul3A_94 : vector<1000x256xf32>
    %tanh3A_96 = math.tanh %add3A_95 : vector<1000x256xf32>
    %mul3A_97 = arith.mulf %logistic3A_89, %tanh3A_96 : vector<1000x256xf32>
    %max3A_98 = arith.constant 0.000000e+00 : f32
    %max3A_99 = vector.broadcast %max3A_98 : f32 to vector<1000x256xf32>
    %max3A_100 = arith.maximumf %mul3A_97, %max3A_99 : vector<1000x256xf32>
    %get3A_101 = arith.constant 0 : index
    %get3A_102 = arith.constant 0 : index
    %get3A_103 = vector.load %arg12[%get3A_101, %get3A_102] : memref<256x128xf32, #tpu.memory_space<vmem>>, vector<256x128xf32>
    %dot_general3A_104 = arith.constant dense<0.000000e+00> : vector<1000x128xf32>
    %dot_general3A_105 = tpu.matmul %max3A_100, %get3A_103, %dot_general3A_104 {dimension_numbers = #tpu.dot_dimension_numbers<[1], [0], [0], [1], [0, 0, 1, 1], [], []>, transpose_lhs_hint = false} : vector<1000x256xf32>, vector<256x128xf32>, vector<1000x128xf32> -> vector<1000x128xf32>
    %get3A_106 = arith.constant 0 : index
    %get3A_107 = arith.constant 0 : index
    %get3A_108 = vector.load %arg14[%get3A_106, %get3A_107] : memref<1x128xf32, #tpu.memory_space<vmem>>, vector<1x128xf32>
    %add3A_109 = vector.broadcast %get3A_108 : vector<1x128xf32> to vector<1000x128xf32>
    %add3A_110 = arith.addf %dot_general3A_105, %add3A_109 : vector<1000x128xf32>
    %get3A_111 = arith.constant 0 : index
    %get3A_112 = arith.constant 0 : index
    %get3A_113 = vector.load %arg13[%get3A_111, %get3A_112] : memref<256x128xf32, #tpu.memory_space<vmem>>, vector<256x128xf32>
    %dot_general3A_114 = arith.constant dense<0.000000e+00> : vector<1000x128xf32>
    %dot_general3A_115 = tpu.matmul %max3A_100, %get3A_113, %dot_general3A_114 {dimension_numbers = #tpu.dot_dimension_numbers<[1], [0], [0], [1], [0, 0, 1, 1], [], []>, transpose_lhs_hint = false} : vector<1000x256xf32>, vector<256x128xf32>, vector<1000x128xf32> -> vector<1000x128xf32>
    %get3A_116 = arith.constant 0 : index
    %get3A_117 = arith.constant 0 : index
    %get3A_118 = vector.load %arg15[%get3A_116, %get3A_117] : memref<1x128xf32, #tpu.memory_space<vmem>>, vector<1x128xf32>
    %add3A_119 = vector.broadcast %get3A_118 : vector<1x128xf32> to vector<1000x128xf32>
    %add3A_120 = arith.addf %dot_general3A_115, %add3A_119 : vector<1000x128xf32>
    %max3A_121 = arith.maximumf %add3A_110, %add3A_120 : vector<1000x128xf32>
    %get3A_122 = arith.constant 0 : index
    %get3A_123 = arith.constant 0 : index
    %get3A_124 = vector.load %arg16[%get3A_122, %get3A_123] : memref<128x64xf32, #tpu.memory_space<vmem>>, vector<128x64xf32>
    %dot_general3A_125 = arith.constant dense<0.000000e+00> : vector<1000x64xf32>
    %dot_general3A_126 = tpu.matmul %max3A_121, %get3A_124, %dot_general3A_125 {dimension_numbers = #tpu.dot_dimension_numbers<[1], [0], [0], [1], [0, 0, 1, 1], [], []>, transpose_lhs_hint = false} : vector<1000x128xf32>, vector<128x64xf32>, vector<1000x64xf32> -> vector<1000x64xf32>
    %get3A_127 = arith.constant 0 : index
    %get3A_128 = arith.constant 0 : index
    %get3A_129 = vector.load %arg17[%get3A_127, %get3A_128] : memref<1x64xf32, #tpu.memory_space<vmem>>, vector<1x64xf32>
    %add3A_130 = vector.broadcast %get3A_129 : vector<1x64xf32> to vector<1000x64xf32>
    %add3A_131 = arith.addf %dot_general3A_126, %add3A_130 : vector<1000x64xf32>
    %get3A_132 = arith.constant 0 : index
    %get3A_133 = arith.constant 0 : index
    %get3A_134 = vector.load %arg18[%get3A_132, %get3A_133] : memref<64x64xf32, #tpu.memory_space<vmem>>, vector<64x64xf32>
    %dot_general3A_135 = arith.constant dense<0.000000e+00> : vector<1000x64xf32>
    %dot_general3A_136 = tpu.matmul %add3A_131, %get3A_134, %dot_general3A_135 {dimension_numbers = #tpu.dot_dimension_numbers<[1], [0], [0], [1], [0, 0, 1, 1], [], []>, transpose_lhs_hint = false} : vector<1000x64xf32>, vector<64x64xf32>, vector<1000x64xf32> -> vector<1000x64xf32>
    %get3A_137 = arith.constant 0 : index
    %get3A_138 = arith.constant 0 : index
    %get3A_139 = vector.load %arg19[%get3A_137, %get3A_138] : memref<1x64xf32, #tpu.memory_space<vmem>>, vector<1x64xf32>
    %add3A_140 = vector.broadcast %get3A_139 : vector<1x64xf32> to vector<1000x64xf32>
    %add3A_141 = arith.addf %dot_general3A_136, %add3A_140 : vector<1000x64xf32>
    %get3A_142 = arith.constant 0 : index
    %get3A_143 = arith.constant 0 : index
    %get3A_144 = vector.load %arg20[%get3A_142, %get3A_143] : memref<64x128xf32, #tpu.memory_space<vmem>>, vector<64x128xf32>
    %dot_general3A_145 = arith.constant dense<0.000000e+00> : vector<1000x128xf32>
    %dot_general3A_146 = tpu.matmul %add3A_141, %get3A_144, %dot_general3A_145 {dimension_numbers = #tpu.dot_dimension_numbers<[1], [0], [0], [1], [0, 0, 1, 1], [], []>, transpose_lhs_hint = false} : vector<1000x64xf32>, vector<64x128xf32>, vector<1000x128xf32> -> vector<1000x128xf32>
    %get3A_147 = arith.constant 0 : index
    %get3A_148 = arith.constant 0 : index
    %get3A_149 = vector.load %arg21[%get3A_147, %get3A_148] : memref<64x128xf32, #tpu.memory_space<vmem>>, vector<64x128xf32>
    %dot_general3A_150 = arith.constant dense<0.000000e+00> : vector<1000x128xf32>
    %dot_general3A_151 = tpu.matmul %add3A_141, %get3A_149, %dot_general3A_150 {dimension_numbers = #tpu.dot_dimension_numbers<[1], [0], [0], [1], [0, 0, 1, 1], [], []>, transpose_lhs_hint = false} : vector<1000x64xf32>, vector<64x128xf32>, vector<1000x128xf32> -> vector<1000x128xf32>
    %swap3A = arith.constant 0 : index
    %swap3A_152 = arith.constant 0 : index
    %swap3A_153 = vector.load %arg22[%swap3A, %swap3A_152] : memref<1000x128xf32, #tpu.memory_space<vmem>>, vector<1000x128xf32>
    tpu.vector_store %arg22[%swap3A, %swap3A_152], %dot_general3A_146 {strides = array<i32>} : memref<1000x128xf32, #tpu.memory_space<vmem>>, vector<1000x128xf32>,
    %swap3A_154 = arith.constant 0 : index
    %swap3A_155 = arith.constant 0 : index
    %swap3A_156 = vector.load %arg23[%swap3A_154, %swap3A_155] : memref<1000x128xf32, #tpu.memory_space<vmem>>, vector<1000x128xf32>
    tpu.vector_store %arg23[%swap3A_154, %swap3A_155], %dot_general3A_146 {strides = array<i32>} : memref<1000x128xf32, #tpu.memory_space<vmem>>, vector<1000x128xf32>,
    %swap3A_157 = arith.constant 0 : index
    %swap3A_158 = arith.constant 0 : index
    %swap3A_159 = vector.load %arg24[%swap3A_157, %swap3A_158] : memref<1000x128xf32, #tpu.memory_space<vmem>>, vector<1000x128xf32>
    tpu.vector_store %arg24[%swap3A_157, %swap3A_158], %dot_general3A_146 {strides = array<i32>} : memref<1000x128xf32, #tpu.memory_space<vmem>>, vector<1000x128xf32>,
    %swap3A_160 = arith.constant 0 : index
    %swap3A_161 = arith.constant 0 : index
    %swap3A_162 = vector.load %arg25[%swap3A_160, %swap3A_161] : memref<1000x128xf32, #tpu.memory_space<vmem>>, vector<1000x128xf32>
    tpu.vector_store %arg25[%swap3A_160, %swap3A_161], %dot_general3A_146 {strides = array<i32>} : memref<1000x128xf32, #tpu.memory_space<vmem>>, vector<1000x128xf32>,
    %swap3A_163 = arith.constant 0 : index
    %swap3A_164 = arith.constant 0 : index
    %swap3A_165 = vector.load %arg26[%swap3A_163, %swap3A_164] : memref<1000x128xf32, #tpu.memory_space<vmem>>, vector<1000x128xf32>
    tpu.vector_store %arg26[%swap3A_163, %swap3A_164], %dot_general3A_151 {strides = array<i32>} : memref<1000x128xf32, #tpu.memory_space<vmem>>, vector<1000x128xf32>,
    %swap3A_166 = arith.constant 0 : index
    %swap3A_167 = arith.constant 0 : index
    %swap3A_168 = vector.load %arg27[%swap3A_166, %swap3A_167] : memref<1000x128xf32, #tpu.memory_space<vmem>>, vector<1000x128xf32>
    tpu.vector_store %arg27[%swap3A_166, %swap3A_167], %dot_general3A_151 {strides = array<i32>} : memref<1000x128xf32, #tpu.memory_space<vmem>>, vector<1000x128xf32>,
    %swap3A_169 = arith.constant 0 : index
    %swap3A_170 = arith.constant 0 : index
    %swap3A_171 = vector.load %arg28[%swap3A_169, %swap3A_170] : memref<1000x128xf32, #tpu.memory_space<vmem>>, vector<1000x128xf32>
    tpu.vector_store %arg28[%swap3A_169, %swap3A_170], %dot_general3A_151 {strides = array<i32>} : memref<1000x128xf32, #tpu.memory_space<vmem>>, vector<1000x128xf32>,
    %swap3A_172 = arith.constant 0 : index
    %swap3A_173 = arith.constant 0 : index
    %swap3A_174 = vector.load %arg29[%swap3A_172, %swap3A_173] : memref<1000x128xf32, #tpu.memory_space<vmem>>, vector<1000x128xf32>
    tpu.vector_store %arg29[%swap3A_172, %swap3A_173], %dot_general3A_151 {strides = array<i32>} : memref<1000x128xf32, #tpu.memory_space<vmem>>, vector<1000x128xf32>,
    return
  }
  func.func @transform_0(%arg0: i32) -> (i32, i32) {
    %c0_i32 = arith.constant 0 : i32
    %c0_i32_0 = arith.constant 0 : i32
    return %arg0, %c0_i32 : i32, i32
  }
  func.func @transform_1(%arg0: i32) -> (i32, i32) {
    %c0_i32 = arith.constant 0 : i32
    %c0_i32_0 = arith.constant 0 : i32
    return %arg0, %c0_i32 : i32, i32
  }
  func.func @transform_2(%arg0: i32) -> (i32, i32) {
    %c0_i32 = arith.constant 0 : i32
    %c0_i32_0 = arith.constant 0 : i32
    return %arg0, %c0_i32 : i32, i32
  }
  func.func @transform_3(%arg0: i32) -> (i32, i32) {
    %c0_i32 = arith.constant 0 : i32
    %c0_i32_0 = arith.constant 0 : i32
    return %arg0, %c0_i32 : i32, i32
  }
  func.func @transform_4(%arg0: i32) -> (i32, i32) {
    %c0_i32 = arith.constant 0 : i32
    %c0_i32_0 = arith.constant 0 : i32
    return %arg0, %c0_i32 : i32, i32
  }
  func.func @transform_5(%arg0: i32) -> (i32, i32) {
    %c0_i32 = arith.constant 0 : i32
    %c0_i32_0 = arith.constant 0 : i32
    %c0_i32_1 = arith.constant 0 : i32
    return %c0_i32, %c0_i32_0 : i32, i32
  }
  func.func @transform_6(%arg0: i32) -> (i32, i32) {
    %c0_i32 = arith.constant 0 : i32
    %c0_i32_0 = arith.constant 0 : i32
    %c0_i32_1 = arith.constant 0 : i32
    return %c0_i32, %c0_i32_0 : i32, i32
  }
  func.func @transform_7(%arg0: i32) -> (i32, i32) {
    %c0_i32 = arith.constant 0 : i32
    %c0_i32_0 = arith.constant 0 : i32
    %c0_i32_1 = arith.constant 0 : i32
    return %c0_i32, %c0_i32_0 : i32, i32
  }
  func.func @transform_8(%arg0: i32) -> (i32, i32) {
    %c0_i32 = arith.constant 0 : i32
    %c0_i32_0 = arith.constant 0 : i32
    %c0_i32_1 = arith.constant 0 : i32
    return %c0_i32, %c0_i32_0 : i32, i32
  }
  func.func @transform_9(%arg0: i32) -> (i32, i32) {
    %c0_i32 = arith.constant 0 : i32
    %c0_i32_0 = arith.constant 0 : i32
    %c0_i32_1 = arith.constant 0 : i32
    return %c0_i32, %c0_i32_0 : i32, i32
  }
  func.func @transform_10(%arg0: i32) -> (i32, i32) {
    %c0_i32 = arith.constant 0 : i32
    %c0_i32_0 = arith.constant 0 : i32
    %c0_i32_1 = arith.constant 0 : i32
    return %c0_i32, %c0_i32_0 : i32, i32
  }
  func.func @transform_11(%arg0: i32) -> (i32, i32) {
    %c0_i32 = arith.constant 0 : i32
    %c0_i32_0 = arith.constant 0 : i32
    %c0_i32_1 = arith.constant 0 : i32
    return %c0_i32, %c0_i32_0 : i32, i32
  }
  func.func @transform_12(%arg0: i32) -> (i32, i32) {
    %c0_i32 = arith.constant 0 : i32
    %c0_i32_0 = arith.constant 0 : i32
    %c0_i32_1 = arith.constant 0 : i32
    return %c0_i32, %c0_i32_0 : i32, i32
  }
  func.func @transform_13(%arg0: i32) -> (i32, i32) {
    %c0_i32 = arith.constant 0 : i32
    %c0_i32_0 = arith.constant 0 : i32
    %c0_i32_1 = arith.constant 0 : i32
    return %c0_i32, %c0_i32_0 : i32, i32
  }
  func.func @transform_14(%arg0: i32) -> (i32, i32) {
    %c0_i32 = arith.constant 0 : i32
    %c0_i32_0 = arith.constant 0 : i32
    %c0_i32_1 = arith.constant 0 : i32
    return %c0_i32, %c0_i32_0 : i32, i32
  }
  func.func @transform_15(%arg0: i32) -> (i32, i32) {
    %c0_i32 = arith.constant 0 : i32
    %c0_i32_0 = arith.constant 0 : i32
    %c0_i32_1 = arith.constant 0 : i32
    return %c0_i32, %c0_i32_0 : i32, i32
  }
  func.func @transform_16(%arg0: i32) -> (i32, i32) {
    %c0_i32 = arith.constant 0 : i32
    %c0_i32_0 = arith.constant 0 : i32
    %c0_i32_1 = arith.constant 0 : i32
    return %c0_i32, %c0_i32_0 : i32, i32
  }
  func.func @transform_17(%arg0: i32) -> (i32, i32) {
    %c0_i32 = arith.constant 0 : i32
    %c0_i32_0 = arith.constant 0 : i32
    %c0_i32_1 = arith.constant 0 : i32
    return %c0_i32, %c0_i32_0 : i32, i32
  }
  func.func @transform_18(%arg0: i32) -> (i32, i32) {
    %c0_i32 = arith.constant 0 : i32
    %c0_i32_0 = arith.constant 0 : i32
    %c0_i32_1 = arith.constant 0 : i32
    return %c0_i32, %c0_i32_0 : i32, i32
  }
  func.func @transform_19(%arg0: i32) -> (i32, i32) {
    %c0_i32 = arith.constant 0 : i32
    %c0_i32_0 = arith.constant 0 : i32
    %c0_i32_1 = arith.constant 0 : i32
    return %c0_i32, %c0_i32_0 : i32, i32
  }
  func.func @transform_20(%arg0: i32) -> (i32, i32) {
    %c0_i32 = arith.constant 0 : i32
    %c0_i32_0 = arith.constant 0 : i32
    %c0_i32_1 = arith.constant 0 : i32
    return %c0_i32, %c0_i32_0 : i32, i32
  }
  func.func @transform_21(%arg0: i32) -> (i32, i32) {
    %c0_i32 = arith.constant 0 : i32
    %c0_i32_0 = arith.constant 0 : i32
    return %arg0, %c0_i32 : i32, i32
  }
  func.func @transform_22(%arg0: i32) -> (i32, i32) {
    %c0_i32 = arith.constant 0 : i32
    %c0_i32_0 = arith.constant 0 : i32
    return %arg0, %c0_i32 : i32, i32
  }
  func.func @transform_23(%arg0: i32) -> (i32, i32) {
    %c0_i32 = arith.constant 0 : i32
    %c0_i32_0 = arith.constant 0 : i32
    return %arg0, %c0_i32 : i32, i32
  }
  func.func @transform_24(%arg0: i32) -> (i32, i32) {
    %c0_i32 = arith.constant 0 : i32
    %c0_i32_0 = arith.constant 0 : i32
    return %arg0, %c0_i32 : i32, i32
  }
  func.func @transform_25(%arg0: i32) -> (i32, i32) {
    %c0_i32 = arith.constant 0 : i32
    %c0_i32_0 = arith.constant 0 : i32
    return %arg0, %c0_i32 : i32, i32
  }
  func.func @transform_26(%arg0: i32) -> (i32, i32) {
    %c0_i32 = arith.constant 0 : i32
    %c0_i32_0 = arith.constant 0 : i32
    return %arg0, %c0_i32 : i32, i32
  }
  func.func @transform_27(%arg0: i32) -> (i32, i32) {
    %c0_i32 = arith.constant 0 : i32
    %c0_i32_0 = arith.constant 0 : i32
    return %arg0, %c0_i32 : i32, i32
  }
  func.func @transform_28(%arg0: i32) -> (i32, i32) {
    %c0_i32 = arith.constant 0 : i32
    %c0_i32_0 = arith.constant 0 : i32
    return %arg0, %c0_i32 : i32, i32
  }
}

module attributes {stable_mosaic.version = 14 : i64} {
  func.func @_edge_body(%arg0: i32, %arg1: memref<2048x8xf32, #tpu.memory_space<vmem>>, %arg2: memref<2048x128xf32, #tpu.memory_space<vmem>>, %arg3: memref<8x16xf32, #tpu.memory_space<vmem>>, %arg4: memref<1x16xf32, #tpu.memory_space<vmem>>, %arg5: memref<16x16xf32, #tpu.memory_space<vmem>>, %arg6: memref<1x16xf32, #tpu.memory_space<vmem>>, %arg7: memref<16x80xf32, #tpu.memory_space<vmem>>, %arg8: memref<1x80xf32, #tpu.memory_space<vmem>>, %arg9: memref<80x16xf32, #tpu.memory_space<vmem>>, %arg10: memref<1x16xf32, #tpu.memory_space<vmem>>, %arg11: memref<16x8xf32, #tpu.memory_space<vmem>>, %arg12: memref<1x8xf32, #tpu.memory_space<vmem>>, %arg13: memref<8x1xf32, #tpu.memory_space<vmem>>, %arg14: memref<1x1xf32, #tpu.memory_space<vmem>>, %arg15: memref<2048x1xf32, #tpu.memory_space<vmem>>) attributes {dimension_semantics = [#tpu.dimension_semantics<arbitrary>], iteration_bounds = array<i64: 80>, scalar_prefetch = 0 : i64, scratch_operands = 0 : i64, tpu.core_type = #tpu.core_type<tc>, window_params = [{transform_indices = @transform_0, window_bounds = array<i64: 2048, 8>}, {transform_indices = @transform_1, window_bounds = array<i64: 2048, 128>}, {pipeline_mode = #tpu.pipeline_mode<synchronous>, transform_indices = @transform_2, window_bounds = array<i64: 8, 16>}, {pipeline_mode = #tpu.pipeline_mode<synchronous>, transform_indices = @transform_3, window_bounds = array<i64: 1, 16>}, {pipeline_mode = #tpu.pipeline_mode<synchronous>, transform_indices = @transform_4, window_bounds = array<i64: 16, 16>}, {pipeline_mode = #tpu.pipeline_mode<synchronous>, transform_indices = @transform_5, window_bounds = array<i64: 1, 16>}, {pipeline_mode = #tpu.pipeline_mode<synchronous>, transform_indices = @transform_6, window_bounds = array<i64: 16, 80>}, {pipeline_mode = #tpu.pipeline_mode<synchronous>, transform_indices = @transform_7, window_bounds = array<i64: 1, 80>}, {pipeline_mode = #tpu.pipeline_mode<synchronous>, transform_indices = @transform_8, window_bounds = array<i64: 80, 16>}, {pipeline_mode = #tpu.pipeline_mode<synchronous>, transform_indices = @transform_9, window_bounds = array<i64: 1, 16>}, {pipeline_mode = #tpu.pipeline_mode<synchronous>, transform_indices = @transform_10, window_bounds = array<i64: 16, 8>}, {pipeline_mode = #tpu.pipeline_mode<synchronous>, transform_indices = @transform_11, window_bounds = array<i64: 1, 8>}, {pipeline_mode = #tpu.pipeline_mode<synchronous>, transform_indices = @transform_12, window_bounds = array<i64: 8, 1>}, {pipeline_mode = #tpu.pipeline_mode<synchronous>, transform_indices = @transform_13, window_bounds = array<i64: 1, 1>}, {transform_indices = @transform_14, window_bounds = array<i64: 2048, 1>}]} {
    %get3A = arith.constant 0 : index
    %get3A_0 = arith.constant 0 : index
    %get3A_1 = vector.load %arg1[%get3A, %get3A_0] : memref<2048x8xf32, #tpu.memory_space<vmem>>, vector<2048x8xf32>
    %get3A_2 = arith.constant 0 : index
    %get3A_3 = arith.constant 0 : index
    %get3A_4 = vector.load %arg3[%get3A_2, %get3A_3] : memref<8x16xf32, #tpu.memory_space<vmem>>, vector<8x16xf32>
    %dot_general3A = arith.constant dense<0.000000e+00> : vector<2048x16xf32>
    %dot_general3A_5 = tpu.matmul %get3A_1, %get3A_4, %dot_general3A {dimension_numbers = #tpu.dot_dimension_numbers<[1], [0], [0], [1], [0, 0, 1, 1], [], []>, transpose_lhs_hint = false} : vector<2048x8xf32>, vector<8x16xf32>, vector<2048x16xf32> -> vector<2048x16xf32>
    %get3A_6 = arith.constant 0 : index
    %get3A_7 = arith.constant 0 : index
    %get3A_8 = vector.load %arg4[%get3A_6, %get3A_7] : memref<1x16xf32, #tpu.memory_space<vmem>>, vector<1x16xf32>
    %add3A = vector.broadcast %get3A_8 : vector<1x16xf32> to vector<2048x16xf32>
    %add3A_9 = arith.addf %dot_general3A_5, %add3A : vector<2048x16xf32>
    %max3A = arith.constant 0.000000e+00 : f32
    %max3A_10 = vector.broadcast %max3A : f32 to vector<2048x16xf32>
    %max3A_11 = arith.maximumf %add3A_9, %max3A_10 : vector<2048x16xf32>
    %get3A_12 = arith.constant 0 : index
    %get3A_13 = arith.constant 0 : index
    %get3A_14 = vector.load %arg5[%get3A_12, %get3A_13] : memref<16x16xf32, #tpu.memory_space<vmem>>, vector<16x16xf32>
    %dot_general3A_15 = arith.constant dense<0.000000e+00> : vector<2048x16xf32>
    %dot_general3A_16 = tpu.matmul %max3A_11, %get3A_14, %dot_general3A_15 {dimension_numbers = #tpu.dot_dimension_numbers<[1], [0], [0], [1], [0, 0, 1, 1], [], []>, transpose_lhs_hint = false} : vector<2048x16xf32>, vector<16x16xf32>, vector<2048x16xf32> -> vector<2048x16xf32>
    %get3A_17 = arith.constant 0 : index
    %get3A_18 = arith.constant 0 : index
    %get3A_19 = vector.load %arg6[%get3A_17, %get3A_18] : memref<1x16xf32, #tpu.memory_space<vmem>>, vector<1x16xf32>
    %add3A_20 = vector.broadcast %get3A_19 : vector<1x16xf32> to vector<2048x16xf32>
    %add3A_21 = arith.addf %dot_general3A_16, %add3A_20 : vector<2048x16xf32>
    %max3A_22 = arith.constant 0.000000e+00 : f32
    %max3A_23 = vector.broadcast %max3A_22 : f32 to vector<2048x16xf32>
    %max3A_24 = arith.maximumf %add3A_21, %max3A_23 : vector<2048x16xf32>
    %get3A_25 = arith.constant 0 : index
    %get3A_26 = arith.constant 0 : index
    %get3A_27 = vector.load %arg2[%get3A_25, %get3A_26] : memref<2048x128xf32, #tpu.memory_space<vmem>>, vector<2048x128xf32>
    %slice3A = vector.extract_strided_slice %get3A_27 {offsets = [0, 0], sizes = [2048, 80], strides = [1, 1]} : vector<2048x128xf32> to vector<2048x80xf32>
    %get3A_28 = arith.constant 0 : index
    %get3A_29 = arith.constant 0 : index
    %get3A_30 = vector.load %arg7[%get3A_28, %get3A_29] : memref<16x80xf32, #tpu.memory_space<vmem>>, vector<16x80xf32>
    %dot_general3A_31 = arith.constant dense<0.000000e+00> : vector<2048x80xf32>
    %dot_general3A_32 = tpu.matmul %max3A_24, %get3A_30, %dot_general3A_31 {dimension_numbers = #tpu.dot_dimension_numbers<[1], [0], [0], [1], [0, 0, 1, 1], [], []>, transpose_lhs_hint = false} : vector<2048x16xf32>, vector<16x80xf32>, vector<2048x80xf32> -> vector<2048x80xf32>
    %add3A_33 = arith.addf %slice3A, %dot_general3A_32 : vector<2048x80xf32>
    %get3A_34 = arith.constant 0 : index
    %get3A_35 = arith.constant 0 : index
    %get3A_36 = vector.load %arg8[%get3A_34, %get3A_35] : memref<1x80xf32, #tpu.memory_space<vmem>>, vector<1x80xf32>
    %add3A_37 = vector.broadcast %get3A_36 : vector<1x80xf32> to vector<2048x80xf32>
    %add3A_38 = arith.addf %add3A_33, %add3A_37 : vector<2048x80xf32>
    %max3A_39 = arith.constant 0.000000e+00 : f32
    %max3A_40 = vector.broadcast %max3A_39 : f32 to vector<2048x80xf32>
    %max3A_41 = arith.maximumf %add3A_38, %max3A_40 : vector<2048x80xf32>
    %get3A_42 = arith.constant 0 : index
    %get3A_43 = arith.constant 0 : index
    %get3A_44 = vector.load %arg9[%get3A_42, %get3A_43] : memref<80x16xf32, #tpu.memory_space<vmem>>, vector<80x16xf32>
    %dot_general3A_45 = arith.constant dense<0.000000e+00> : vector<2048x16xf32>
    %dot_general3A_46 = tpu.matmul %max3A_41, %get3A_44, %dot_general3A_45 {dimension_numbers = #tpu.dot_dimension_numbers<[1], [0], [0], [1], [0, 0, 1, 1], [], []>, transpose_lhs_hint = false} : vector<2048x80xf32>, vector<80x16xf32>, vector<2048x16xf32> -> vector<2048x16xf32>
    %get3A_47 = arith.constant 0 : index
    %get3A_48 = arith.constant 0 : index
    %get3A_49 = vector.load %arg10[%get3A_47, %get3A_48] : memref<1x16xf32, #tpu.memory_space<vmem>>, vector<1x16xf32>
    %add3A_50 = vector.broadcast %get3A_49 : vector<1x16xf32> to vector<2048x16xf32>
    %add3A_51 = arith.addf %dot_general3A_46, %add3A_50 : vector<2048x16xf32>
    %max3A_52 = arith.constant 0.000000e+00 : f32
    %max3A_53 = vector.broadcast %max3A_52 : f32 to vector<2048x16xf32>
    %max3A_54 = arith.maximumf %add3A_51, %max3A_53 : vector<2048x16xf32>
    %get3A_55 = arith.constant 0 : index
    %get3A_56 = arith.constant 0 : index
    %get3A_57 = vector.load %arg11[%get3A_55, %get3A_56] : memref<16x8xf32, #tpu.memory_space<vmem>>, vector<16x8xf32>
    %dot_general3A_58 = arith.constant dense<0.000000e+00> : vector<2048x8xf32>
    %dot_general3A_59 = tpu.matmul %max3A_54, %get3A_57, %dot_general3A_58 {dimension_numbers = #tpu.dot_dimension_numbers<[1], [0], [0], [1], [0, 0, 1, 1], [], []>, transpose_lhs_hint = false} : vector<2048x16xf32>, vector<16x8xf32>, vector<2048x8xf32> -> vector<2048x8xf32>
    %get3A_60 = arith.constant 0 : index
    %get3A_61 = arith.constant 0 : index
    %get3A_62 = vector.load %arg12[%get3A_60, %get3A_61] : memref<1x8xf32, #tpu.memory_space<vmem>>, vector<1x8xf32>
    %add3A_63 = vector.broadcast %get3A_62 : vector<1x8xf32> to vector<2048x8xf32>
    %add3A_64 = arith.addf %dot_general3A_59, %add3A_63 : vector<2048x8xf32>
    %max3A_65 = arith.constant 0.000000e+00 : f32
    %max3A_66 = vector.broadcast %max3A_65 : f32 to vector<2048x8xf32>
    %max3A_67 = arith.maximumf %add3A_64, %max3A_66 : vector<2048x8xf32>
    %get3A_68 = arith.constant 0 : index
    %get3A_69 = arith.constant 0 : index
    %get3A_70 = vector.load %arg13[%get3A_68, %get3A_69] : memref<8x1xf32, #tpu.memory_space<vmem>>, vector<8x1xf32>
    %dot_general3A_71 = arith.constant dense<0.000000e+00> : vector<2048x1xf32>
    %dot_general3A_72 = tpu.matmul %max3A_67, %get3A_70, %dot_general3A_71 {dimension_numbers = #tpu.dot_dimension_numbers<[1], [0], [0], [1], [0, 0, 1, 1], [], []>, transpose_lhs_hint = false} : vector<2048x8xf32>, vector<8x1xf32>, vector<2048x1xf32> -> vector<2048x1xf32>
    %get3A_73 = arith.constant 0 : index
    %get3A_74 = arith.constant 0 : index
    %get3A_75 = vector.load %arg14[%get3A_73, %get3A_74] : memref<1x1xf32, #tpu.memory_space<vmem>>, vector<1x1xf32>
    %add3A_76 = vector.broadcast %get3A_75 : vector<1x1xf32> to vector<2048x1xf32>
    %add3A_77 = arith.addf %dot_general3A_72, %add3A_76 : vector<2048x1xf32>
    %swap3A = arith.constant 0 : index
    %swap3A_78 = arith.constant 0 : index
    %swap3A_79 = vector.load %arg15[%swap3A, %swap3A_78] : memref<2048x1xf32, #tpu.memory_space<vmem>>, vector<2048x1xf32>
    tpu.vector_store %arg15[%swap3A, %swap3A_78], %add3A_77 {strides = array<i32>} : memref<2048x1xf32, #tpu.memory_space<vmem>>, vector<2048x1xf32>,
    return
  }
  func.func @transform_0(%arg0: i32) -> (i32, i32) {
    %c0_i32 = arith.constant 0 : i32
    %c0_i32_0 = arith.constant 0 : i32
    return %arg0, %c0_i32 : i32, i32
  }
  func.func @transform_1(%arg0: i32) -> (i32, i32) {
    %c0_i32 = arith.constant 0 : i32
    %c0_i32_0 = arith.constant 0 : i32
    return %arg0, %c0_i32 : i32, i32
  }
  func.func @transform_2(%arg0: i32) -> (i32, i32) {
    %c0_i32 = arith.constant 0 : i32
    %c0_i32_0 = arith.constant 0 : i32
    %c0_i32_1 = arith.constant 0 : i32
    return %c0_i32, %c0_i32_0 : i32, i32
  }
  func.func @transform_3(%arg0: i32) -> (i32, i32) {
    %c0_i32 = arith.constant 0 : i32
    %c0_i32_0 = arith.constant 0 : i32
    %c0_i32_1 = arith.constant 0 : i32
    return %c0_i32, %c0_i32_0 : i32, i32
  }
  func.func @transform_4(%arg0: i32) -> (i32, i32) {
    %c0_i32 = arith.constant 0 : i32
    %c0_i32_0 = arith.constant 0 : i32
    %c0_i32_1 = arith.constant 0 : i32
    return %c0_i32, %c0_i32_0 : i32, i32
  }
  func.func @transform_5(%arg0: i32) -> (i32, i32) {
    %c0_i32 = arith.constant 0 : i32
    %c0_i32_0 = arith.constant 0 : i32
    %c0_i32_1 = arith.constant 0 : i32
    return %c0_i32, %c0_i32_0 : i32, i32
  }
  func.func @transform_6(%arg0: i32) -> (i32, i32) {
    %c0_i32 = arith.constant 0 : i32
    %c0_i32_0 = arith.constant 0 : i32
    %c0_i32_1 = arith.constant 0 : i32
    return %c0_i32, %c0_i32_0 : i32, i32
  }
  func.func @transform_7(%arg0: i32) -> (i32, i32) {
    %c0_i32 = arith.constant 0 : i32
    %c0_i32_0 = arith.constant 0 : i32
    %c0_i32_1 = arith.constant 0 : i32
    return %c0_i32, %c0_i32_0 : i32, i32
  }
  func.func @transform_8(%arg0: i32) -> (i32, i32) {
    %c0_i32 = arith.constant 0 : i32
    %c0_i32_0 = arith.constant 0 : i32
    %c0_i32_1 = arith.constant 0 : i32
    return %c0_i32, %c0_i32_0 : i32, i32
  }
  func.func @transform_9(%arg0: i32) -> (i32, i32) {
    %c0_i32 = arith.constant 0 : i32
    %c0_i32_0 = arith.constant 0 : i32
    %c0_i32_1 = arith.constant 0 : i32
    return %c0_i32, %c0_i32_0 : i32, i32
  }
  func.func @transform_10(%arg0: i32) -> (i32, i32) {
    %c0_i32 = arith.constant 0 : i32
    %c0_i32_0 = arith.constant 0 : i32
    %c0_i32_1 = arith.constant 0 : i32
    return %c0_i32, %c0_i32_0 : i32, i32
  }
  func.func @transform_11(%arg0: i32) -> (i32, i32) {
    %c0_i32 = arith.constant 0 : i32
    %c0_i32_0 = arith.constant 0 : i32
    %c0_i32_1 = arith.constant 0 : i32
    return %c0_i32, %c0_i32_0 : i32, i32
  }
  func.func @transform_12(%arg0: i32) -> (i32, i32) {
    %c0_i32 = arith.constant 0 : i32
    %c0_i32_0 = arith.constant 0 : i32
    %c0_i32_1 = arith.constant 0 : i32
    return %c0_i32, %c0_i32_0 : i32, i32
  }
  func.func @transform_13(%arg0: i32) -> (i32, i32) {
    %c0_i32 = arith.constant 0 : i32
    %c0_i32_0 = arith.constant 0 : i32
    %c0_i32_1 = arith.constant 0 : i32
    return %c0_i32, %c0_i32_0 : i32, i32
  }
  func.func @transform_14(%arg0: i32) -> (i32, i32) {
    %c0_i32 = arith.constant 0 : i32
    %c0_i32_0 = arith.constant 0 : i32
    return %arg0, %c0_i32 : i32, i32
  }
}

</mosaic_0001>

<sc_bundles>
// kernel: kernel.5.cloned.1.call-start
scs
__scs_entry_jumppad:
0x0: {  	(pc) =	sbr.rel $0x88, $3  }
0x1: {  	(tag) =	ssettag $0x0;
	lr =	simm.s32 $0x1  }
0x2: {  	[smem:$0x3F80] =	sst lr;
	_ =	strace $0xD0000000  }
0x3: {  	_ = 	snop  }
0x4: {  	_ = 	snop  }
0x5: {  	_ = 	snop  }
0x6: {  	_ = 	snop  }
0x7: {  	_ = 	snop  }
__scs_overlays_trampoline_lowered:
0x8: {  	[smem:$0x3F8F] =	sst s0  }
0x9: {  	[smem:$0x3F90] =	sst s1  }
0xa: {  	[smem:$0x3F91] =	sst s2  }
0xb: {  	[smem:$0x3F92] =	sst s3  }
0xc: {  	[smem:$0x3F93] =	sst s4  }
0xd: {  	[smem:$0x3F94] =	sst s5  }
0xe: {  	[smem:$0x3F95] =	sst s6  }
0xf: {  	[smem:$0x3F96] =	sst s7  }
0x10: {  	[smem:$0x3F97] =	sst s8  }
0x11: {  	[smem:$0x3F98] =	sst s9;
	s0 =	simm.s32 @!p0 $0x0  }
0x12: {  	s1 =	sld [smem:$0x3F7E];
	s0 =	simm.s32 @p0 $0x1  }
0x13: {  	[smem:$0x3F99] =	sst s0;
	s0 =	simm.s32 @!p1 $0x0  }
0x14: {  	s2 =	sld [smem:$0x3F7D];
	s0 =	simm.s32 @p1 $0x1  }
0x15: {  	[smem:$0x3F9A] =	sst s0;
	s0 =	simm.s32 @!p2 $0x0  }
0x16: {  	s3 =	sld [smem:$0x3FDB];
	s0 =	simm.s32 @p2 $0x1  }
0x17: {  	s4 =	simm.s32 $0x1BF5;
	[smem:$0x3F9C] =	sst s0  }
0x18: {  	s0 =	sld [smem:$0x3F7F];
	_ =	swait.ge [sflag:s4], $0x0  }
0x19: {  	s7 =	sld [smem:$0x3F80]  }
0x1a: {  	s8 =	sadd.s32 $0xFFFFE003, lr  }
0x1b: {  	s9 =	sadd.s32 $0xFFFFFEF7, lr;
	s5 =	simm.s32 $0xFFFFFFFF;
	p2 =	slt.u32 s8, $0xFFFFF086  }
0x1c: {  	p1 =	slt.u32 s9, $0xF7A;
	s5 =	simm.s32 @!p2 $0x0  }
0x1d: {  	s5 =	simm.s32 @p1 $0x1;
	p0 =	seq.s32 s7, s2  }
0x1e: {  	s7 =	smul.u32 @!p0 $0xF7A, s2;
	p2 =	seq.s32 @!p0 s5, $0x0  }
0x1f: {  	s9 =	smul.u32 $0xF7A, s1;
	s8 =	simm.s32 @!p0 $0x1BF5;
	p2 =	por !p2, p0  }
0x20: {  	[sflag:s8] =	ssyncset.s32 @!p0 $0xFFFFF086;
	s6 =	sadd.s32 @!p0 s3, s7;
	s7 =	simm.s32 @!p0 $0x108  }
0x21: {  	s3 =	sadd.s32 s3, s9;
	s6 =	sadd.s32 @!p0 $0x88, s6;
	s7 =	simm.s32 @p2 $0x1082  }
0x22: {  	[simem:s7], [sflag:s8] =	dma.local @!p0 [hbm:s6], $0xF7A  }
0x23: {  	s9 =	sor.u32 $0xD0000000, s2;
	s6 =	simm.s32 $0x108;
	_ =	swait.ge @!p0 [sflag:s8], $0x0  }
0x24: {  	s3 =	sadd.s32 $0x88, s3;
	s6 =	simm.s32 @!p1 $0x1082;
	[sflag:s4] =	ssyncset.s32 $0xFFFFF086  }
0x25: {  	[simem:s6], [sflag:s4] =	dma.local [hbm:s3], $0xF7A  }
0x26: {  	[smem:$0x3F80] =	sst s1;
	(tag) =	ssettag s2;
	_ =	strace s9  }
0x27: {  	s1 =	sld [smem:$0x3F90]  }
0x28: {  	s2 =	sld [smem:$0x3F91]  }
0x29: {  	s4 =	sld [smem:$0x3F93]  }
0x2a: {  	p0 =	seq.s32 s5, $0x0;
	s5 =	sld [smem:$0x3F94]  }
0x2b: {  	s6 =	sld [smem:$0x3F95]  }
0x2c: {  	s7 =	sld [smem:$0x3F96]  }
0x2d: {  	s3 =	simm.s32 $0x108;
	s8 =	sld [smem:$0x3F97]  }
0x2e: {  	s3 =	simm.s32 @!p0 $0x1082;
	s9 =	sld [smem:$0x3F98]  }
0x2f: {  	lr =	sadd.s32 s0, s3;
	s0 =	sld [smem:$0x3F8F]  }
0x30: {  	s3 =	sld [smem:$0x3F92]  }
0x31: {  	[smem:$0x3F9B] =	sst s10  }
0x32: {  	s10 =	sld [smem:$0x3F99];
	_ =	sdelay $0x3  }
0x33: {  	p0 =	seq.s32 s10, $0x1;
	s10 =	sld [smem:$0x3F9B];
	_ =	sdelay $0x3  }
0x34: {  	[smem:$0x3F9B] =	sst s10  }
0x35: {  	s10 =	sld [smem:$0x3F9A];
	_ =	sdelay $0x3  }
0x36: {  	p1 =	seq.s32 s10, $0x1;
	s10 =	sld [smem:$0x3F9B];
	_ =	sdelay $0x3  }
0x37: {  	[smem:$0x3F9B] =	sst s10  }
0x38: {  	s10 =	sld [smem:$0x3F9C]  }
0x39: {  	_ = 	snop;
	(pc) =	sbr.ind lr, $3  }
0x3a: {  	_ = 	snop  }
0x3b: {  	_ = 	snop  }
0x3c: {  	p2 =	seq.s32 s10, $0x1;
	s10 =	sld [smem:$0x3F9B]  }
0x3d: {  	_ =	shalt  }
0x3e: {  	_ =	shalt  }
0x3f: {  	_ =	shalt  }
0x40: {  	_ =	shalt  }
0x41: {  	_ =	shalt  }
0x42: {  	_ =	shalt  }
0x43: {  	_ =	shalt  }
0x44: {  	_ =	shalt  }
0x45: {  	_ =	shalt  }
0x46: {  	_ =	shalt  }
0x47: {  	_ =	shalt  }
0x48: {  	_ =	shalt  }
0x49: {  	_ =	shalt  }
0x4a: {  	_ =	shalt  }
0x4b: {  	_ =	shalt  }
0x4c: {  	_ =	shalt  }
0x4d: {  	_ =	shalt  }
0x4e: {  	_ =	shalt  }
0x4f: {  	_ =	shalt  }
0x50: {  	_ =	shalt  }
0x51: {  	_ =	shalt  }
0x52: {  	_ =	shalt  }
0x53: {  	_ =	shalt  }
0x54: {  	_ =	shalt  }
0x55: {  	_ =	shalt  }
0x56: {  	_ =	shalt  }
0x57: {  	_ =	shalt  }
0x58: {  	_ =	shalt  }
0x59: {  	_ =	shalt  }
0x5a: {  	_ =	shalt  }
0x5b: {  	_ =	shalt  }
0x5c: {  	_ =	shalt  }
0x5d: {  	_ =	shalt  }
0x5e: {  	_ =	shalt  }
0x5f: {  	_ =	shalt  }
0x60: {  	_ =	shalt  }
0x61: {  	_ =	shalt  }
0x62: {  	_ =	shalt  }
0x63: {  	_ =	shalt  }
0x64: {  	_ =	shalt  }
0x65: {  	_ =	shalt  }
0x66: {  	_ =	shalt  }
0x67: {  	_ =	shalt  }
0x68: {  	_ =	shalt  }
0x69: {  	_ =	shalt  }
0x6a: {  	_ =	shalt  }
0x6b: {  	_ =	shalt  }
0x6c: {  	_ =	shalt  }
0x6d: {  	_ =	shalt  }
0x6e: {  	_ =	shalt  }
0x6f: {  	_ =	shalt  }
0x70: {  	_ =	shalt  }
0x71: {  	_ =	shalt  }
0x72: {  	_ =	shalt  }
0x73: {  	_ =	shalt  }
0x74: {  	_ =	shalt  }
0x75: {  	_ =	shalt  }
0x76: {  	_ =	shalt  }
0x77: {  	_ =	shalt  }
0x78: {  	_ =	shalt  }
0x79: {  	_ =	shalt  }
0x7a: {  	_ =	shalt  }
0x7b: {  	_ =	shalt  }
0x7c: {  	_ =	shalt  }
0x7d: {  	_ =	shalt  }
0x7e: {  	_ =	shalt  }
0x7f: {  	_ =	shalt  }
0x80: {  	_ =	shalt  }
0x81: {  	_ =	shalt  }
0x82: {  	_ =	shalt  }
0x83: {  	_ =	shalt  }
0x84: {  	_ =	shalt  }
0x85: {  	_ =	shalt  }
0x86: {  	_ =	shalt  }
0x87: {  	_ =	shalt  }
.Lfunc_end0:
.L_simem_size_0:
called_computation_lowered:
.L_overlay_start_0:
0x88: {  	s2 =	sld [smem:$0x3FD9]  }
0x89: {  	s3 =	sld [smem:$0x3FFE];
	_ =	sdelay $0x1  }
0x8a: {  	s1 =	srdreg.scid  }
0x8b: {  	s0 =	sand.u32 $0x1, s1  }
0x8c: {  	s16 =	sshll.u32 s0, $0xA;
	s2 =	sadd.s32 s3, s2  }
0x8d: {  	s2 =	sadd.s32 s2, s16  }
0x8e: {  	[smem:$0x3FA7] =	sst s2  }
0x8f: {  	_ = 	snop  }
0x90: {  	(tm) =	ssettm $0x1  }
0x91: {  	s17 =	sld [smem:$0x3FFB];
	_ =	sdelay $0x3  }
0x92: {  	_ =	strace s17  }
0x93: {  	s2 =	sld [smem:$0x3FFC];
	_ =	sdelay $0x3  }
0x94: {  	_ =	strace s2  }
0x95: {  	s2 =	sld [smem:$0x3FFD];
	_ =	sdelay $0x3  }
0x96: {  	_ =	strace s2  }
0x97: {  	_ =	strace $0x8FFFFFFF  }
0x98: {  	s18 =	sld [smem:$0x3FDB];
	_ =	sdelay $0x1  }
0x99: {  	s19 =	simm.s32 $_scs_section_size  }
0x9a: {  	s4 =	simm.s32 $_size__tile_overlayer_lowered;
	s5 =	simm.s32 $_tile_overlayer_lowered  }
0x9b: {  	s22 =	simm.s32 $0x1BFF;
	s21 =	sshll.u32 s5, $0x1;
	s2 =	sadd.s32 s19, s18  }
0x9c: {  	s6 =	simm.s32 $0x0;
	s20 =	sshll.u32 s4, $0x1;
	s4 =	sadd.s32 s21, s2  }
0x9d: {  	[timem:s6], [sflag:s22] =	dma.local [hbm:s4], s20  }
0x9e: {  	_ =	swait.ge [sflag:s22], s20  }
0x9f: {  	s3 =	ssub.s32 $0x0, s20;
	[sflag:s22] =	ssyncset.done $0x0  }
0xa0: {  	[sflag:s22] =	ssyncadd.s32 s3;
	_ =	sdelay $0x1  }
0xa1: {  	s23 =	simm.s32 $0x1B8B  }
0xa2: {  	_ =	swait.ge [sflag:s23], $0x1  }
0xa3: {  	[sflag:s23] =	ssyncset.done $0x0  }
0xa4: {  	s25 =	simm.s32 $0x1B8E;
	s24 =	sld [smem:$0x3FFE];
	[sflag:s23] =	ssyncadd.s32 $0xFFFFFFFF  }
0xa5: {  	s26 =	simm.s32 $execute0_lowered;
	[smem:$0x3FD2] =	sst s25  }
0xa6: {  	s4 =	sshll.u32 s26, $0x1;
	_ =	strace $0x80000046;
	[dreg:$0x1] =	wrdreg $0xFFFFFFFF  }
0xa7: {  	s28 =	simm.s32 $_size_execute0_lowered;
	s2 =	sadd.s32 s2, s4;
	[dreg:$0x0] =	wrdreg $0x0  }
0xa8: {  	s4 =	sshll.u32 s28, $0x1;
	[dreg:$0x2] =	wrdreg s2  }
0xa9: {  	[dreg:$0x3] =	wrdreg s4  }
0xaa: {  	[dreg:$0x4] =	wrdreg $0xC0  }
0xab: {  	_ =	task [dreg:s6], $0x5FFFF  }
0xac: {  	[dreg:$0x1] =	wrdreg $0xFFFFFFFF  }
0xad: {  	[dreg:$0x0] =	wrdreg $0x60  }
0xae: {  	[dreg:$0x2] =	wrdreg s24  }
0xaf: {  	[dreg:$0x3] =	wrdreg $0x9  }
0xb0: {  	_ =	task.clear_ibuf [dreg:s6], $0x4FFFF;
	_ =	strace $0x90000046  }
0xb1: {  	s29 =	simm.s32 $0x9;
	_ =	strace $0x80000048  }
0xb2: {  	_ =	swait.ge [sflag:s29], $0x1  }
0xb3: {  	[sflag:s29] =	ssyncadd.s32 $0xFFFFFFFF  }
0xb4: {  	_ =	strace $0x90000048  }
0xb5: {  	_ =	sfence  }
0xb6: {  	s30 =	sld [smem:$0x0];
	_ =	sdelay $0x2  }
0xb7: {  	s31 =	sshll.u32 s1, $0xD;
	s1 =	sshrl.u32 s1, $0x2  }
0xb8: {  	s3 =	sand.u32 $0x4000, s31;
	s1 =	sadd.s32 s1, s30  }
0xb9: {  	s0 =	sor.u32 s3, s0;
	s1 =	sshll.u32 s1, $0x11  }
0xba: {  	s0 =	sor.u32 s1, s0  }
0xbb: {  	s0 =	sadd.s32 $0x8F2B, s0  }
0xbc: {  	[sflag:s0] =	ssyncadd.remote.s32 $0x1  }
0xbd: {  	_ =	sfence.sel $0xFFFF  }
0xbe: {  	[dreg:$0x0] =	wrdreg $0xFFFFFFFF;
	(pc) =	sbr.abs _section_cstart, $3  }
0xbf: {  	[dreg:$0x1] =	wrdreg $0xFFFFFFFF  }
0xc0: {  	_ =	task.clear_ibuf [dreg:s6], $0x2FFFF;
	_ =	strace $0x9FFFFFFF  }
0xc1: {  	(tm) =	ssettm $0x7FFFFFFF  }
tec
execute0_lowered:
.L_overlay_start_1:
0x0: {  	(tag) =	ssettag $0x1  }
0x1: {  	s0 =	rddreg [dreg:$0x0];
	s2 =	simm.s32 $0x0  }
0x2: {  	s1 =	srdreg.scid;
	s3 =	stileid.u32;
	s20 =	simm.s32 $0x50  }
0x3: {  	s31 =	simm.s32 $0x1;
	s22 =	simm.s32 $0x16800;
	s23 =	simm.s32 $0x2  }
0x4: {  	s28 =	simm.s32 $0x7;
	s29 =	simm.s32 $0x9;
	s30 =	simm.s32 $0x4  }
0x5: {  	s19 =	simm.s32 $0x8;
	s13 =	simm.s32 $0xA;
	[smem:$0x7FF] =	sst s2  }
0x6: {  	s1 =	sand.u32 $0x1, s1;
	s5 =	sshll.u32 s3, $0x1;
	s3 =	sadd.s32 $0xCE00, s0  }
0x7: {  	s4 =	sadd.s32 $0xD0800, s0;
	s7 =	sadd.s32 $0x11EC00, s0;
	s6 =	sor.u32 s1, s5  }
0x8: {  	_ =	strace $0x80000047;
	[dreg:$0x2] =	wrdreg s7;
	s7 =	smul.u32 $0x1400, s6  }
0x9: {  	s8 =	sadd.s32 $0x34000, s0;
	s9 =	sadd.s32 $0x5B200, s0;
	s10 =	sadd.s32 $0x82400, s0  }
0xa: {  	s11 =	sadd.s32 $0xA9600, s0;
	s12 =	sadd.s32 $0x145E00, s0;
	s6 =	sshrl.u32 s7, $0x3  }
0xb: {  	s5 =	sadd.s32 $0xF7A00, s0;
	s1 =	ssub.s32 $0x2, s1;
	s6 =	sadd.s32 s6, s0  }
0xc: {  	s24 =	sshrl.u32 s1, $0x1;
	s15 =	sor.u32 $0x50, s7;
	s25 =	sadd.s32 $0x7E00, s6  }
0xd: {  	s0 =	ssub.s32 s1, s24;
	s26 =	sadd.s32 $0x2E00, s6;
	[dreg:$0x3] =	wrdreg s25  }
0xe: {  	s16 =	sor.u32 $0xA0, s7;
	s0 =	smax.u32 s0, $0x1;
	[dreg:$0x4] =	wrdreg s26  }
0xf: {  	s24 =	simm.s32 $0x6;
	s6 =	simm.s32 $0x0;
	[dreg:$0x5] =	wrdreg s0  }
0x10: {  	s0 =	simm.s32 $0x5;
	s25 =	simm.s32 $0x19000;
	s26 =	simm.s32 $0x3  }
.LBB2_1:
0x11: {  	[dreg:$0x6] =	wrdreg s6  }
0x12: {  	s1 =	rddreg [dreg:$0x3];
	s17 =	simm.s32 $0xB  }
0x13: {  	[tilespmem:s2], [sflag:$0xB] =	stream.linear.gather [hbm4b:s1+s2], $0x1400, $0x38;
	[tilespmem:$0x1B800] =	vst v63  }
0x14: {  	_ =	swait.ge [sflag:s17], $0x1400  }
0x15: {  	[sflag:s17] =	ssyncset.done $0x0  }
0x16: {  	s14 =	simm.s32 $0x1400;
	s18 =	rddreg [dreg:$0x4];
	[sflag:s17] =	ssyncadd.s32 $0xFFFFEC00  }
0x17: {  	[tilespmem:s14], [sflag:$0xB] =	stream.linear.gather [hbm4b:s18+s2], $0x1400, $0x38;
	[tilespmem:$0x1B800] =	vst v63  }
0x18: {  	_ =	swait.ge [sflag:s17], $0x1400  }
0x19: {  	[sflag:s17] =	ssyncset.done $0x0  }
0x1a: {  	s21 =	simm.s32 $0x2800;
	[sflag:s17] =	ssyncadd.s32 $0xFFFFEC00  }
0x1b: {  	[tilespmem:s21], [sflag:$0x1] =	stream.indirect.gather [hbm4b:s3+s20], $0x80, s2, s20, $0xb8;
	[tilespmem:$0x1B800] =	vst v63  }
0x1c: {  	s6 =	simm.s32 $0xC800  }
0x1d: {  	[tilespmem:s6], [sflag:$0x5] =	stream.indirect.gather [hbm4b:s8+s20], $0x80, s14, s20, $0xb8;
	[tilespmem:$0x1B800] =	vst v63  }
0x1e: {  	s17 =	simm.s32 $0x5000  }
0x1f: {  	[tilespmem:s17], [sflag:$0x2] =	stream.indirect.gather [hbm4b:s4+s20], $0x80, s20, s20, $0xb8;
	[tilespmem:$0x1B800] =	vst v63  }
0x20: {  	s18 =	simm.s32 $0x1450;
	s21 =	simm.s32 $0xF000  }
0x21: {  	[tilespmem:s21], [sflag:$0x6] =	stream.indirect.gather [hbm4b:s9+s20], $0x80, s18, s20, $0xb8;
	[tilespmem:$0x1B800] =	vst v63  }
0x22: {  	s14 =	simm.s32 $0xA0;
	s17 =	simm.s32 $0x7800  }
0x23: {  	[tilespmem:s17], [sflag:$0x3] =	stream.indirect.gather [hbm4b:s5+s20], $0x80, s14, s20, $0xb8;
	[tilespmem:$0x1B800] =	vst v63  }
0x24: {  	s18 =	simm.s32 $0x14A0;
	s21 =	simm.s32 $0x11800;
	s17 =	simm.s32 $0x0  }
0x25: {  	[tilespmem:s21], [sflag:$0x7] =	stream.indirect.gather [hbm4b:s10+s20], $0x80, s18, s20, $0xb8;
	[tilespmem:$0x1B800] =	vst v63  }
.LBB2_2:
0x26: {  	_ =	swait.ge [sflag:s31], $0x2800  }
0x27: {  	[sflag:s31] =	ssyncset.done $0x0  }
0x28: {  	[sflag:s31] =	ssyncadd.s32 $0xFFFFD800  }
0x29: {  	_ =	swait.ge [sflag:s0], $0x2800  }
0x2a: {  	p0 =	seq.s32 s17, $0x0;
	[sflag:s0] =	ssyncset.done $0x0  }
0x2b: {  	s1 =	simm.s32 @!p0 $0x9;
	[sflag:s0] =	ssyncadd.s32 $0xFFFFD800  }
0x2c: {  	_ =	swait.ge @!p0 [sflag:s1], $0x2800  }
0x2d: {  	[sflag:s1] =	ssyncset.done @!p0 $0x0  }
0x2e: {  	s14 =	simm.s32 $0x0;
	[sflag:s1] =	ssyncadd.s32 @!p0 $0xFFFFD800  }
0x2f: {  	v0 =	vld [tilespmem:s14+$0x2870]  }
0x30: {  	v1 =	vld [tilespmem:s14+$0xC870]  }
0x31: {  	v2 =	vld [tilespmem:s14+$0x2800]  }
0x32: {  	v3 =	vld [tilespmem:s14+$0xC800]  }
0x33: {  	v4 =	vld [tilespmem:s14+$0x2810]  }
0x34: {  	v5 =	vld [tilespmem:s14+$0xC810]  }
0x35: {  	v6 =	vld [tilespmem:s14+$0x2820]  }
0x36: {  	v7 =	vld [tilespmem:s14+$0x2830]  }
0x37: {  	v0 =	vadd.f32 v1, v0;
	v1 =	vld [tilespmem:s14+$0xC820]  }
0x38: {  	v8 =	vld [tilespmem:s14+$0xC830]  }
0x39: {  	v9 =	vld [tilespmem:s14+$0xC840];
	v2 =	vadd.f32 v3, v2  }
0x3a: {  	[tilespmem:s14+$0x16870] =	vst v0;
	v0 =	vadd.f32 v5, v4;
	v5 =	vld [tilespmem:s14+$0x2840]  }
0x3b: {  	v3 =	vld [tilespmem:s14+$0xC850];
	[tilespmem:s14+$0x16800] =	vst v2  }
0x3c: {  	v2 =	vld [tilespmem:s14+$0x2850];
	[tilespmem:s14+$0x16810] =	vst v0;
	v0 =	vadd.f32 v1, v6  }
0x3d: {  	v4 =	vld [tilespmem:s14+$0xC860];
	v6 =	vadd.f32 v8, v7  }
0x3e: {  	s1 =	simm.s32 $0x80;
	[tilespmem:s14+$0x16820] =	vst v0;
	v0 =	vld [tilespmem:s14+$0x2860]  }
0x3f: {  	s18 =	simm.s32 $0x400;
	v5 =	vadd.f32 v9, v5;
	v1 =	vld [tilespmem:s1+$0x2870];
	[tilespmem:s14+$0x16830] =	vst v6  }
.LBB2_3:
0x40: {  	p1 =	sne.s32 s18, $0x9E00;
	v6 =	vld [tilespmem:s1+$0xC870]  }
0x41: {  	v7 =	vld [tilespmem:s1+$0x2800];
	[tilespmem:s14+$0x16840] =	vst v5;
	v2 =	vadd.f32 v3, v2  }
0x42: {  	v3 =	vld [tilespmem:s1+$0xC800]  }
0x43: {  	v5 =	vld [tilespmem:s1+$0x2810];
	[tilespmem:s14+$0x16850] =	vst v2;
	v0 =	vadd.f32 v4, v0  }
0x44: {  	v2 =	vld [tilespmem:s1+$0xC810]  }
0x45: {  	v4 =	vld [tilespmem:s1+$0x2820];
	v1 =	vadd.f32 v6, v1;
	[tilespmem:s14+$0x16860] =	vst v0;
	s14 =	smov.u32 s1  }
0x46: {  	v0 =	vld [tilespmem:s14+$0xC820]  }
0x47: {  	v3 =	vadd.f32 v3, v7;
	v6 =	vld [tilespmem:s14+$0x2830];
	[tilespmem:s14+$0x16870] =	vst v1  }
0x48: {  	v1 =	vld [tilespmem:s14+$0xC830]  }
0x49: {  	[tilespmem:s14+$0x16800] =	vst v3;
	v2 =	vadd.f32 v2, v5;
	v5 =	vld [tilespmem:s14+$0x2840]  }
0x4a: {  	v7 =	vld [tilespmem:s14+$0xC840]  }
.Ltmp0:
0x4b: {  	[tilespmem:s14+$0x16810] =	vst v2;
	v0 =	vadd.f32 v0, v4;
	v2 =	vld [tilespmem:s14+$0x2850];
	(pc) =	sbr.rel @p1 .LBB2_3-.Ltmp0, $4  }
0x4c: {  	v3 =	vld [tilespmem:s14+$0xC850]  }
0x4d: {  	[tilespmem:s14+$0x16820] =	vst v0;
	v6 =	vadd.f32 v1, v6;
	v0 =	vld [tilespmem:s14+$0x2860]  }
0x4e: {  	s1 =	sshra.s32 s18, $0x2;
	v4 =	vld [tilespmem:s14+$0xC860]  }
0x4f: {  	s18 =	sadd.s32 $0x200, s18;
	v1 =	vld [tilespmem:s1+$0x2870];
	[tilespmem:s14+$0x16830] =	vst v6;
	v5 =	vadd.f32 v7, v5  }
0x50: {  	v6 =	vld [tilespmem:s1+$0xC870]  }
0x51: {  	v7 =	vld [tilespmem:s1+$0x2800];
	[tilespmem:s14+$0x16840] =	vst v5;
	v2 =	vadd.f32 v3, v2  }
0x52: {  	v3 =	vld [tilespmem:s1+$0xC800]  }
0x53: {  	v5 =	vld [tilespmem:s1+$0x2810];
	[tilespmem:s14+$0x16850] =	vst v2;
	v0 =	vadd.f32 v4, v0  }
0x54: {  	v2 =	vld [tilespmem:s1+$0xC810]  }
0x55: {  	v4 =	vld [tilespmem:s1+$0x2820];
	[tilespmem:s14+$0x16860] =	vst v0  }
0x56: {  	v0 =	vadd.f32 v6, v1;
	v1 =	vld [tilespmem:s1+$0xC820]  }
0x57: {  	v6 =	vld [tilespmem:s1+$0x2830]  }
0x58: {  	v3 =	vadd.f32 v3, v7;
	[tilespmem:s1+$0x16870] =	vst v0;
	v0 =	vld [tilespmem:s1+$0xC830]  }
0x59: {  	v7 =	vld [tilespmem:s1+$0xC860]  }
0x5a: {  	[tilespmem:s1+$0x16800] =	vst v3;
	v2 =	vadd.f32 v2, v5;
	v3 =	vld [tilespmem:s1+$0x2840]  }
0x5b: {  	v5 =	vld [tilespmem:s1+$0xC840]  }
0x5c: {  	[tilespmem:s1+$0x16810] =	vst v2;
	v1 =	vadd.f32 v1, v4;
	v2 =	vld [tilespmem:s1+$0x2850]  }
0x5d: {  	v4 =	vld [tilespmem:s1+$0xC850]  }
0x5e: {  	[tilespmem:s1+$0x16820] =	vst v1;
	v1 =	vld [tilespmem:s1+$0x2860];
	_ =	sdelay $0x1  }
0x5f: {  	v0 =	vadd.f32 v0, v6  }
0x60: {  	v3 =	vadd.f32 v5, v3  }
0x61: {  	[tilespmem:s1+$0x16830] =	vst v0;
	v0 =	vadd.f32 v4, v2  }
0x62: {  	s18 =	smul.u32 $0x140, s17;
	[tilespmem:s1+$0x16840] =	vst v3;
	v1 =	vadd.f32 v7, v1  }
0x63: {  	[tilespmem:s1+$0x16850] =	vst v0  }
0x64: {  	s21 =	rddreg [dreg:$0x2];
	s6 =	simm.s32 $0xA000;
	s14 =	sadd.s32 $0xF0, s18;
	[tilespmem:s1+$0x16860] =	vst v1  }
0x65: {  	[tilespmem:s6], [sflag:$0x4] =	stream.indirect.gather [hbm4b:s21+s20], $0x80, s14, s20, $0xb8;
	[tilespmem:$0x1B800] =	vst v63  }
0x66: {  	s6 =	sadd.s32 $0x14F0, s18;
	s21 =	simm.s32 $0x14000  }
0x67: {  	[tilespmem:s21], [sflag:$0x8] =	stream.indirect.gather [hbm4b:s11+s20], $0x80, s6, s20, $0xb8;
	[tilespmem:$0x1B800] =	vst v63  }
0x68: {  	s21 =	sadd.s32 s7, s18  }
0x69: {  	s1 =	sshll.u32 s21, $0x4  }
0x6a: {  	s1 =	sadd.s32 s12, s1  }
0x6b: {  	[hbm4b:s1+s2] =	stream.linear.scatter [tilespmem:s22], [sflag:$0x9], $0x2800, $0x38;
	[tilespmem:$0x1B800] =	vst v63  }
0x6c: {  	_ =	swait.ge [sflag:s23], $0x2800  }
0x6d: {  	[sflag:s23] =	ssyncset.done $0x0  }
0x6e: {  	[sflag:s23] =	ssyncadd.s32 $0xFFFFD800  }
0x6f: {  	_ =	swait.ge [sflag:s24], $0x2800  }
0x70: {  	[sflag:s24] =	ssyncset.done $0x0  }
0x71: {  	s1 =	simm.s32 @!p0 $0xA;
	[sflag:s24] =	ssyncadd.s32 $0xFFFFD800  }
0x72: {  	_ =	swait.ge @!p0 [sflag:s1], $0x2800  }
0x73: {  	[sflag:s1] =	ssyncset.done @!p0 $0x0  }
0x74: {  	[sflag:s1] =	ssyncadd.s32 @!p0 $0xFFFFD800;
	s1 =	simm.s32 $0x0  }
0x75: {  	v0 =	vld [tilespmem:s1+$0x5070]  }
0x76: {  	v1 =	vld [tilespmem:s1+$0xF070]  }
0x77: {  	v2 =	vld [tilespmem:s1+$0x5000]  }
0x78: {  	v3 =	vld [tilespmem:s1+$0xF000]  }
0x79: {  	v4 =	vld [tilespmem:s1+$0x5010]  }
0x7a: {  	v5 =	vld [tilespmem:s1+$0xF010]  }
0x7b: {  	v6 =	vld [tilespmem:s1+$0x5020]  }
0x7c: {  	v7 =	vld [tilespmem:s1+$0x5030]  }
0x7d: {  	v0 =	vadd.f32 v1, v0;
	v1 =	vld [tilespmem:s1+$0xF020]  }
0x7e: {  	v8 =	vld [tilespmem:s1+$0xF030]  }
0x7f: {  	v9 =	vld [tilespmem:s1+$0xF040];
	v2 =	vadd.f32 v3, v2  }
0x80: {  	[tilespmem:s1+$0x19070] =	vst v0;
	v0 =	vadd.f32 v5, v4;
	v5 =	vld [tilespmem:s1+$0x5040]  }
0x81: {  	v3 =	vld [tilespmem:s1+$0xF050];
	[tilespmem:s1+$0x19000] =	vst v2  }
0x82: {  	v2 =	vld [tilespmem:s1+$0x5050];
	[tilespmem:s1+$0x19010] =	vst v0;
	v0 =	vadd.f32 v1, v6  }
0x83: {  	v4 =	vld [tilespmem:s1+$0xF060];
	v6 =	vadd.f32 v8, v7  }
0x84: {  	s21 =	simm.s32 $0x80;
	[tilespmem:s1+$0x19020] =	vst v0;
	v0 =	vld [tilespmem:s1+$0x5060]  }
0x85: {  	s6 =	simm.s32 $0x400;
	v5 =	vadd.f32 v9, v5;
	v1 =	vld [tilespmem:s21+$0x5070];
	[tilespmem:s1+$0x19030] =	vst v6  }
.LBB2_5:
0x86: {  	p0 =	sne.s32 s6, $0x9E00;
	v6 =	vld [tilespmem:s21+$0xF070]  }
0x87: {  	v7 =	vld [tilespmem:s21+$0x5000];
	[tilespmem:s1+$0x19040] =	vst v5;
	v2 =	vadd.f32 v3, v2  }
0x88: {  	v3 =	vld [tilespmem:s21+$0xF000]  }
0x89: {  	v5 =	vld [tilespmem:s21+$0x5010];
	[tilespmem:s1+$0x19050] =	vst v2;
	v0 =	vadd.f32 v4, v0  }
0x8a: {  	v2 =	vld [tilespmem:s21+$0xF010]  }
0x8b: {  	v4 =	vld [tilespmem:s21+$0x5020];
	v1 =	vadd.f32 v6, v1;
	[tilespmem:s1+$0x19060] =	vst v0;
	s1 =	smov.u32 s21  }
0x8c: {  	v0 =	vld [tilespmem:s1+$0xF020]  }
0x8d: {  	v3 =	vadd.f32 v3, v7;
	v6 =	vld [tilespmem:s1+$0x5030];
	[tilespmem:s1+$0x19070] =	vst v1  }
0x8e: {  	v1 =	vld [tilespmem:s1+$0xF030]  }
0x8f: {  	[tilespmem:s1+$0x19000] =	vst v3;
	v2 =	vadd.f32 v2, v5;
	v5 =	vld [tilespmem:s1+$0x5040]  }
0x90: {  	v7 =	vld [tilespmem:s1+$0xF040]  }
.Ltmp1:
0x91: {  	[tilespmem:s1+$0x19010] =	vst v2;
	v0 =	vadd.f32 v0, v4;
	v2 =	vld [tilespmem:s1+$0x5050];
	(pc) =	sbr.rel @p0 .LBB2_5-.Ltmp1, $4  }
0x92: {  	v3 =	vld [tilespmem:s1+$0xF050]  }
0x93: {  	[tilespmem:s1+$0x19020] =	vst v0;
	v6 =	vadd.f32 v1, v6;
	v0 =	vld [tilespmem:s1+$0x5060]  }
0x94: {  	s21 =	sshra.s32 s6, $0x2;
	v4 =	vld [tilespmem:s1+$0xF060]  }
0x95: {  	s6 =	sadd.s32 $0x200, s6;
	v1 =	vld [tilespmem:s21+$0x5070];
	[tilespmem:s1+$0x19030] =	vst v6;
	v5 =	vadd.f32 v7, v5  }
0x96: {  	v6 =	vld [tilespmem:s21+$0xF070]  }
0x97: {  	v7 =	vld [tilespmem:s21+$0x5000];
	[tilespmem:s1+$0x19040] =	vst v5;
	v2 =	vadd.f32 v3, v2  }
0x98: {  	v3 =	vld [tilespmem:s21+$0xF000]  }
0x99: {  	v5 =	vld [tilespmem:s21+$0x5010];
	[tilespmem:s1+$0x19050] =	vst v2;
	v0 =	vadd.f32 v4, v0  }
0x9a: {  	v2 =	vld [tilespmem:s21+$0xF010]  }
0x9b: {  	v4 =	vld [tilespmem:s21+$0x5020];
	[tilespmem:s1+$0x19060] =	vst v0  }
0x9c: {  	v0 =	vadd.f32 v6, v1;
	v1 =	vld [tilespmem:s21+$0xF020]  }
0x9d: {  	v6 =	vld [tilespmem:s21+$0x5030]  }
0x9e: {  	v3 =	vadd.f32 v3, v7;
	[tilespmem:s21+$0x19070] =	vst v0;
	v0 =	vld [tilespmem:s21+$0xF030]  }
0x9f: {  	v7 =	vld [tilespmem:s21+$0xF060]  }
0xa0: {  	[tilespmem:s21+$0x19000] =	vst v3;
	v2 =	vadd.f32 v2, v5;
	v3 =	vld [tilespmem:s21+$0x5040]  }
0xa1: {  	v5 =	vld [tilespmem:s21+$0xF040]  }
0xa2: {  	[tilespmem:s21+$0x19010] =	vst v2;
	v1 =	vadd.f32 v1, v4;
	v2 =	vld [tilespmem:s21+$0x5050]  }
0xa3: {  	v4 =	vld [tilespmem:s21+$0xF050]  }
0xa4: {  	[tilespmem:s21+$0x19020] =	vst v1;
	v1 =	vld [tilespmem:s21+$0x5060];
	_ =	sdelay $0x1  }
0xa5: {  	v0 =	vadd.f32 v0, v6  }
0xa6: {  	v3 =	vadd.f32 v5, v3  }
0xa7: {  	[tilespmem:s21+$0x19030] =	vst v0;
	v0 =	vadd.f32 v4, v2  }
0xa8: {  	[tilespmem:s21+$0x19040] =	vst v3;
	v1 =	vadd.f32 v7, v1  }
0xa9: {  	p0 =	seq.s32 s17, $0xF;
	[tilespmem:s21+$0x19050] =	vst v0  }
0xaa: {  	s6 =	simm.s32 @!p0 $0x50;
	s1 =	sadd.s32 @!p0 $0x140, s18;
	[tilespmem:s21+$0x19060] =	vst v1;
	s21 =	simm.s32 @!p0 $0x2800  }
0xab: {  	[tilespmem:s21], [sflag:$0x1] =	stream.indirect.gather @!p0 [hbm4b:s3+s6], $0x80, s1, s6, $0xb8;
	[tilespmem:$0x1B800] =	vst v63  }
0xac: {  	s1 =	sadd.s32 @!p0 $0x1540, s18;
	s21 =	simm.s32 @!p0 $0xC800  }
0xad: {  	[tilespmem:s21], [sflag:$0x5] =	stream.indirect.gather @!p0 [hbm4b:s8+s6], $0x80, s1, s6, $0xb8;
	[tilespmem:$0x1B800] =	vst v63  }
0xae: {  	s6 =	sadd.s32 s18, s15  }
0xaf: {  	s1 =	sshll.u32 s6, $0x4  }
0xb0: {  	s21 =	simm.s32 $0x0;
	s1 =	sadd.s32 s12, s1  }
0xb1: {  	[hbm4b:s1+s21] =	stream.linear.scatter [tilespmem:s25], [sflag:$0xA], $0x2800, $0x38;
	[tilespmem:$0x1B800] =	vst v63  }
0xb2: {  	_ =	swait.ge [sflag:s26], $0x2800  }
0xb3: {  	[sflag:s26] =	ssyncset.done $0x0  }
0xb4: {  	[sflag:s26] =	ssyncadd.s32 $0xFFFFD800  }
0xb5: {  	_ =	swait.ge [sflag:s28], $0x2800  }
0xb6: {  	[sflag:s28] =	ssyncset.done $0x0  }
0xb7: {  	[sflag:s28] =	ssyncadd.s32 $0xFFFFD800  }
0xb8: {  	_ =	swait.ge [sflag:s29], $0x2800  }
0xb9: {  	[sflag:s29] =	ssyncset.done $0x0  }
0xba: {  	s1 =	simm.s32 $0x0;
	[sflag:s29] =	ssyncadd.s32 $0xFFFFD800  }
0xbb: {  	v0 =	vld [tilespmem:s1+$0x7870]  }
0xbc: {  	v1 =	vld [tilespmem:s1+$0x11870]  }
0xbd: {  	v2 =	vld [tilespmem:s1+$0x7800]  }
0xbe: {  	v3 =	vld [tilespmem:s1+$0x11800]  }
0xbf: {  	v4 =	vld [tilespmem:s1+$0x7810]  }
0xc0: {  	v5 =	vld [tilespmem:s1+$0x11810]  }
0xc1: {  	v6 =	vld [tilespmem:s1+$0x7820]  }
0xc2: {  	v7 =	vld [tilespmem:s1+$0x7830]  }
0xc3: {  	v0 =	vadd.f32 v1, v0;
	v1 =	vld [tilespmem:s1+$0x11820]  }
0xc4: {  	v8 =	vld [tilespmem:s1+$0x11830]  }
0xc5: {  	v9 =	vld [tilespmem:s1+$0x11840];
	v2 =	vadd.f32 v3, v2  }
0xc6: {  	[tilespmem:s1+$0x16870] =	vst v0;
	v0 =	vadd.f32 v5, v4;
	v5 =	vld [tilespmem:s1+$0x7840]  }
0xc7: {  	v3 =	vld [tilespmem:s1+$0x11850];
	[tilespmem:s1+$0x16800] =	vst v2  }
0xc8: {  	v2 =	vld [tilespmem:s1+$0x7850];
	[tilespmem:s1+$0x16810] =	vst v0;
	v0 =	vadd.f32 v1, v6  }
0xc9: {  	v4 =	vld [tilespmem:s1+$0x11860];
	v6 =	vadd.f32 v8, v7  }
0xca: {  	s21 =	simm.s32 $0x80;
	[tilespmem:s1+$0x16820] =	vst v0;
	v0 =	vld [tilespmem:s1+$0x7860]  }
0xcb: {  	s6 =	simm.s32 $0x400;
	v5 =	vadd.f32 v9, v5;
	v1 =	vld [tilespmem:s21+$0x7870];
	[tilespmem:s1+$0x16830] =	vst v6  }
.LBB2_7:
0xcc: {  	p1 =	sne.s32 s6, $0x9E00;
	v6 =	vld [tilespmem:s21+$0x11870]  }
0xcd: {  	v7 =	vld [tilespmem:s21+$0x7800];
	[tilespmem:s1+$0x16840] =	vst v5;
	v2 =	vadd.f32 v3, v2  }
0xce: {  	v3 =	vld [tilespmem:s21+$0x11800]  }
0xcf: {  	v5 =	vld [tilespmem:s21+$0x7810];
	[tilespmem:s1+$0x16850] =	vst v2;
	v0 =	vadd.f32 v4, v0  }
0xd0: {  	v2 =	vld [tilespmem:s21+$0x11810]  }
0xd1: {  	v4 =	vld [tilespmem:s21+$0x7820];
	v1 =	vadd.f32 v6, v1;
	[tilespmem:s1+$0x16860] =	vst v0;
	s1 =	smov.u32 s21  }
0xd2: {  	v0 =	vld [tilespmem:s1+$0x11820]  }
0xd3: {  	v3 =	vadd.f32 v3, v7;
	v6 =	vld [tilespmem:s1+$0x7830];
	[tilespmem:s1+$0x16870] =	vst v1  }
0xd4: {  	v1 =	vld [tilespmem:s1+$0x11830]  }
0xd5: {  	[tilespmem:s1+$0x16800] =	vst v3;
	v2 =	vadd.f32 v2, v5;
	v5 =	vld [tilespmem:s1+$0x7840]  }
0xd6: {  	v7 =	vld [tilespmem:s1+$0x11840]  }
.Ltmp2:
0xd7: {  	[tilespmem:s1+$0x16810] =	vst v2;
	v0 =	vadd.f32 v0, v4;
	v2 =	vld [tilespmem:s1+$0x7850];
	(pc) =	sbr.rel @p1 .LBB2_7-.Ltmp2, $4  }
0xd8: {  	v3 =	vld [tilespmem:s1+$0x11850]  }
0xd9: {  	[tilespmem:s1+$0x16820] =	vst v0;
	v6 =	vadd.f32 v1, v6;
	v0 =	vld [tilespmem:s1+$0x7860]  }
0xda: {  	s21 =	sshra.s32 s6, $0x2;
	v4 =	vld [tilespmem:s1+$0x11860]  }
0xdb: {  	s6 =	sadd.s32 $0x200, s6;
	v1 =	vld [tilespmem:s21+$0x7870];
	[tilespmem:s1+$0x16830] =	vst v6;
	v5 =	vadd.f32 v7, v5  }
0xdc: {  	v6 =	vld [tilespmem:s21+$0x11870]  }
0xdd: {  	v7 =	vld [tilespmem:s21+$0x7800];
	[tilespmem:s1+$0x16840] =	vst v5;
	v2 =	vadd.f32 v3, v2  }
0xde: {  	v3 =	vld [tilespmem:s21+$0x11800]  }
0xdf: {  	v5 =	vld [tilespmem:s21+$0x7810];
	[tilespmem:s1+$0x16850] =	vst v2;
	v0 =	vadd.f32 v4, v0  }
0xe0: {  	v2 =	vld [tilespmem:s21+$0x11810]  }
0xe1: {  	v4 =	vld [tilespmem:s21+$0x7820];
	[tilespmem:s1+$0x16860] =	vst v0  }
0xe2: {  	v0 =	vadd.f32 v6, v1;
	v1 =	vld [tilespmem:s21+$0x11820]  }
0xe3: {  	v6 =	vld [tilespmem:s21+$0x7830]  }
0xe4: {  	v3 =	vadd.f32 v3, v7;
	[tilespmem:s21+$0x16870] =	vst v0;
	v0 =	vld [tilespmem:s21+$0x11830]  }
0xe5: {  	v7 =	vld [tilespmem:s21+$0x11860]  }
0xe6: {  	[tilespmem:s21+$0x16800] =	vst v3;
	v2 =	vadd.f32 v2, v5;
	v3 =	vld [tilespmem:s21+$0x7840]  }
0xe7: {  	v5 =	vld [tilespmem:s21+$0x11840]  }
0xe8: {  	[tilespmem:s21+$0x16810] =	vst v2;
	v1 =	vadd.f32 v1, v4;
	v2 =	vld [tilespmem:s21+$0x7850]  }
0xe9: {  	v4 =	vld [tilespmem:s21+$0x11850]  }
0xea: {  	[tilespmem:s21+$0x16820] =	vst v1;
	v1 =	vld [tilespmem:s21+$0x7860];
	_ =	sdelay $0x1  }
0xeb: {  	v0 =	vadd.f32 v0, v6  }
0xec: {  	v3 =	vadd.f32 v5, v3  }
0xed: {  	[tilespmem:s21+$0x16830] =	vst v0;
	v0 =	vadd.f32 v4, v2  }
0xee: {  	[tilespmem:s21+$0x16840] =	vst v3;
	v1 =	vadd.f32 v7, v1  }
0xef: {  	[tilespmem:s21+$0x16850] =	vst v0  }
0xf0: {  	s6 =	simm.s32 @!p0 $0x50;
	s1 =	sadd.s32 @!p0 $0x190, s18;
	[tilespmem:s21+$0x16860] =	vst v1;
	s21 =	simm.s32 @!p0 $0x5000  }
0xf1: {  	[tilespmem:s21], [sflag:$0x2] =	stream.indirect.gather @!p0 [hbm4b:s4+s6], $0x80, s1, s6, $0xb8;
	[tilespmem:$0x1B800] =	vst v63  }
0xf2: {  	s1 =	sadd.s32 @!p0 $0x1590, s18;
	s21 =	simm.s32 @!p0 $0xF000  }
0xf3: {  	[tilespmem:s21], [sflag:$0x6] =	stream.indirect.gather @!p0 [hbm4b:s9+s6], $0x80, s1, s6, $0xb8;
	[tilespmem:$0x1B800] =	vst v63  }
0xf4: {  	s6 =	sadd.s32 s18, s16  }
0xf5: {  	s1 =	sshll.u32 s6, $0x4  }
0xf6: {  	s21 =	simm.s32 $0x0;
	s1 =	sadd.s32 s12, s1  }
0xf7: {  	[hbm4b:s1+s21] =	stream.linear.scatter [tilespmem:s22], [sflag:$0x9], $0x2800, $0x38;
	[tilespmem:$0x1B800] =	vst v63  }
0xf8: {  	_ =	swait.ge [sflag:s30], $0x2800  }
0xf9: {  	[sflag:s30] =	ssyncset.done $0x0  }
0xfa: {  	[sflag:s30] =	ssyncadd.s32 $0xFFFFD800  }
0xfb: {  	_ =	swait.ge [sflag:s19], $0x2800  }
0xfc: {  	[sflag:s19] =	ssyncset.done $0x0  }
0xfd: {  	[sflag:s19] =	ssyncadd.s32 $0xFFFFD800  }
0xfe: {  	_ =	swait.ge [sflag:s13], $0x2800  }
0xff: {  	[sflag:s13] =	ssyncset.done $0x0  }
0x100: {  	s1 =	simm.s32 $0x0;
	[sflag:s13] =	ssyncadd.s32 $0xFFFFD800  }
0x101: {  	v0 =	vld [tilespmem:s1+$0xA070]  }
0x102: {  	v1 =	vld [tilespmem:s1+$0x14070]  }
0x103: {  	v2 =	vld [tilespmem:s1+$0xA000]  }
0x104: {  	v3 =	vld [tilespmem:s1+$0x14000]  }
0x105: {  	v4 =	vld [tilespmem:s1+$0xA010]  }
0x106: {  	v5 =	vld [tilespmem:s1+$0x14010]  }
0x107: {  	v6 =	vld [tilespmem:s1+$0xA020]  }
0x108: {  	v7 =	vld [tilespmem:s1+$0xA030]  }
0x109: {  	v0 =	vadd.f32 v1, v0;
	v1 =	vld [tilespmem:s1+$0x14020]  }
0x10a: {  	v8 =	vld [tilespmem:s1+$0x14030]  }
0x10b: {  	v9 =	vld [tilespmem:s1+$0x14040];
	v2 =	vadd.f32 v3, v2  }
0x10c: {  	[tilespmem:s1+$0x19070] =	vst v0;
	v0 =	vadd.f32 v5, v4;
	v5 =	vld [tilespmem:s1+$0xA040]  }
0x10d: {  	v3 =	vld [tilespmem:s1+$0x14050];
	[tilespmem:s1+$0x19000] =	vst v2  }
0x10e: {  	v2 =	vld [tilespmem:s1+$0xA050];
	[tilespmem:s1+$0x19010] =	vst v0;
	v0 =	vadd.f32 v1, v6  }
0x10f: {  	v4 =	vld [tilespmem:s1+$0x14060];
	v6 =	vadd.f32 v8, v7  }
0x110: {  	s21 =	simm.s32 $0x80;
	[tilespmem:s1+$0x19020] =	vst v0;
	v0 =	vld [tilespmem:s1+$0xA060]  }
0x111: {  	s6 =	simm.s32 $0x400;
	v5 =	vadd.f32 v9, v5;
	v1 =	vld [tilespmem:s21+$0xA070];
	[tilespmem:s1+$0x19030] =	vst v6  }
.LBB2_9:
0x112: {  	p1 =	sne.s32 s6, $0x9E00;
	v6 =	vld [tilespmem:s21+$0x14070]  }
0x113: {  	v7 =	vld [tilespmem:s21+$0xA000];
	[tilespmem:s1+$0x19040] =	vst v5;
	v2 =	vadd.f32 v3, v2  }
0x114: {  	v3 =	vld [tilespmem:s21+$0x14000]  }
0x115: {  	v5 =	vld [tilespmem:s21+$0xA010];
	[tilespmem:s1+$0x19050] =	vst v2;
	v0 =	vadd.f32 v4, v0  }
0x116: {  	v2 =	vld [tilespmem:s21+$0x14010]  }
0x117: {  	v4 =	vld [tilespmem:s21+$0xA020];
	v1 =	vadd.f32 v6, v1;
	[tilespmem:s1+$0x19060] =	vst v0;
	s1 =	smov.u32 s21  }
0x118: {  	v0 =	vld [tilespmem:s1+$0x14020]  }
0x119: {  	v3 =	vadd.f32 v3, v7;
	v6 =	vld [tilespmem:s1+$0xA030];
	[tilespmem:s1+$0x19070] =	vst v1  }
0x11a: {  	v1 =	vld [tilespmem:s1+$0x14030]  }
0x11b: {  	[tilespmem:s1+$0x19000] =	vst v3;
	v2 =	vadd.f32 v2, v5;
	v5 =	vld [tilespmem:s1+$0xA040]  }
0x11c: {  	v7 =	vld [tilespmem:s1+$0x14040]  }
.Ltmp3:
0x11d: {  	[tilespmem:s1+$0x19010] =	vst v2;
	v0 =	vadd.f32 v0, v4;
	v2 =	vld [tilespmem:s1+$0xA050];
	(pc) =	sbr.rel @p1 .LBB2_9-.Ltmp3, $4  }
0x11e: {  	v3 =	vld [tilespmem:s1+$0x14050]  }
0x11f: {  	[tilespmem:s1+$0x19020] =	vst v0;
	v6 =	vadd.f32 v1, v6;
	v0 =	vld [tilespmem:s1+$0xA060]  }
0x120: {  	s21 =	sshra.s32 s6, $0x2;
	v4 =	vld [tilespmem:s1+$0x14060]  }
0x121: {  	s6 =	sadd.s32 $0x200, s6;
	v1 =	vld [tilespmem:s21+$0xA070];
	[tilespmem:s1+$0x19030] =	vst v6;
	v5 =	vadd.f32 v7, v5  }
0x122: {  	v6 =	vld [tilespmem:s21+$0x14070]  }
0x123: {  	v7 =	vld [tilespmem:s21+$0xA000];
	[tilespmem:s1+$0x19040] =	vst v5;
	v2 =	vadd.f32 v3, v2  }
0x124: {  	v51 =	vld [tilespmem:s21+$0x14000]  }
0x125: {  	v5 =	vld [tilespmem:s21+$0xA010];
	[tilespmem:s1+$0x19050] =	vst v2;
	v0 =	vadd.f32 v4, v0  }
0x126: {  	v2 =	vld [tilespmem:s21+$0x14010]  }
0x127: {  	v52 =	vld [tilespmem:s21+$0xA020];
	[tilespmem:s1+$0x19060] =	vst v0  }
0x128: {  	v54 =	vld [tilespmem:s21+$0x14020]  }
0x129: {  	v55 =	vld [tilespmem:s21+$0xA030]  }
0x12a: {  	v56 =	vld [tilespmem:s21+$0x14030]  }
0x12b: {  	v57 =	vld [tilespmem:s21+$0xA040]  }
0x12c: {  	v58 =	vld [tilespmem:s21+$0x14040]  }
0x12d: {  	v59 =	vld [tilespmem:s21+$0xA050]  }
0x12e: {  	v53 =	vadd.f32 v6, v1;
	v60 =	vld [tilespmem:s21+$0x14050]  }
0x12f: {  	v61 =	vld [tilespmem:s21+$0xA060];
	v3 =	vadd.f32 v51, v7  }
0x130: {  	v62 =	vld [tilespmem:s21+$0x14060];
	[tilespmem:s21+$0x19070] =	vst v53;
	v2 =	vadd.f32 v2, v5  }
0x131: {  	[tilespmem:s21+$0x19000] =	vst v3;
	v1 =	vadd.f32 v54, v52  }
0x132: {  	[tilespmem:s21+$0x19010] =	vst v2;
	v0 =	vadd.f32 v56, v55  }
0x133: {  	v3 =	vadd.f32 v58, v57;
	[tilespmem:s21+$0x19020] =	vst v1  }
0x134: {  	v63 =	vadd.f32 v60, v59;
	[tilespmem:s21+$0x19030] =	vst v0  }
0x135: {  	[tilespmem:s21+$0x19040] =	vst v3;
	v1 =	vadd.f32 v62, v61  }
0x136: {  	[tilespmem:s21+$0x19050] =	vst v63  }
0x137: {  	s6 =	simm.s32 @!p0 $0x50;
	s1 =	sadd.s32 @!p0 $0x1E0, s18;
	[tilespmem:s21+$0x19060] =	vst v1;
	s21 =	simm.s32 @!p0 $0x7800  }
0x138: {  	[tilespmem:s21], [sflag:$0x3] =	stream.indirect.gather @!p0 [hbm4b:s5+s6], $0x80, s1, s6, $0xb8;
	[tilespmem:$0x1B800] =	vst v63  }
0x139: {  	s17 =	sadd.s32 $0x1, s17;
	s1 =	sadd.s32 @!p0 $0x15E0, s18;
	s18 =	simm.s32 @!p0 $0x11800  }
0x13a: {  	[tilespmem:s18], [sflag:$0x7] =	stream.indirect.gather @!p0 [hbm4b:s10+s6], $0x80, s1, s6, $0xb8;
	[tilespmem:$0x1B800] =	vst v63  }
0x13b: {  	p0 =	sne.s32 s17, $0x10  }
.Ltmp4:
0x13c: {  	_ = 	snop;
	(pc) =	sbr.rel @p0 .LBB2_2-.Ltmp4, $4  }
0x13d: {  	s21 =	sadd.s32 s7, s14  }
0x13e: {  	s1 =	sshll.u32 s21, $0x4  }
0x13f: {  	s1 =	sadd.s32 s12, s1  }
0x140: {  	[hbm4b:s1+s2] =	stream.linear.scatter [tilespmem:s25], [sflag:$0xA], $0x2800, $0x38;
	[tilespmem:$0x1B800] =	vst v63  }
0x141: {  	_ =	swait.ge [sflag:s29], $0x2800  }
0x142: {  	[sflag:s29] =	ssyncset.done $0x0  }
0x143: {  	[sflag:s29] =	ssyncadd.s32 $0xFFFFD800  }
0x144: {  	_ =	swait.ge [sflag:s13], $0x2800  }
0x145: {  	s6 =	rddreg [dreg:$0x6]  }
0x146: {  	s1 =	rddreg [dreg:$0x5];
	s6 =	sadd.s32 $0x1, s6  }
0x147: {  	p0 =	sne.s32 s6, s1  }
.Ltmp5:
0x148: {  	_ = 	snop;
	(pc) =	sbr.rel @p0 .LBB2_1-.Ltmp5, $3  }
0x149: {  	_ =	sdelay $0x1  }
0x14a: {  	[sflag:s13] =	ssyncset.done $0x0  }
0x14b: {  	[sflag:s13] =	ssyncadd.s32 $0xFFFFD800  }
0x14c: {  	_ =	sfence.sel $0x180000  }
0x14d: {  	[bflag:$0x0] =	sbarrier.arrive $0xFFFF  }
0x14e: {  	_ =	strace $0x90000047  }
0x14f: {  	s0 =	stileid.u32;
	[bflag:$0x2] =	sbarrier.arrive $0xFFFF  }
0x150: {  	p0 =	sne.s32 s0, $0x0;
	s0 =	rddreg [dreg:$0x1]  }
0x151: {  	s0 =	sadd.s32 @!p0 $0x100000, s0  }
0x152: {  	[sflag:s0] =	ssyncadd.tile.s32 @!p0 $0x1;
	_ =	shalt  }
.Lfunc_end2:
_tile_overlayer_lowered:
.L_overlay_start_2:
0x153: {  	(tag) =	ssettag $0x2  }
0x154: {  	s0 =	rddreg [dreg:$0x0];
	s2 =	stileid.u32  }
0x155: {  	s1 =	rddreg [dreg:$0x1];
	p0 =	sne.s32 s2, $0x0  }
0x156: {  	s3 =	rddreg [dreg:$0x2];
	[bflag:$0x3] =	sbarrier.arrive $0xFFFF;
	s2 =	simm.s32 @!p0 $0x1C0B  }
0x157: {  	[timem:s3], [sflag:s2] =	dma.local @!p0 [hbm:s0], s1  }
0x158: {  	s0 =	simm.s32 @!p0 $0xB  }
0x159: {  	_ =	swait.ge @!p0 [sflag:s0], s1  }
0x15a: {  	s1 =	ssub.s32 @!p0 $0x0, s1;
	[sflag:s0] =	ssyncset.done @!p0 $0x0  }
0x15b: {  	[sflag:s0] =	ssyncadd.s32 @!p0 s1  }
0x15c: {  	[bflag:$0x3] =	sbarrier.arrive $0xFFFF  }
0x15d: {  	_ =	shalt  }

</sc_bundles>
